<compile_context>
chip_gen: v7x
topology: tpu7x:2x2x1
jax: 0.10.2.dev20260603
libtpu: 0.0.44.dev20260713+nightly
codegen_flags: <defaults>
</compile_context>

<pallas_src>
import functools

import jax
import jax.numpy as jnp
from jax import lax
from jax.experimental import pallas as pl
from jax.experimental.pallas import tpu as pltpu
from jax.experimental.pallas import tpu_sc as plsc

NUM_EXPERTS = 64
TOP_K = 2
BATCH = 4
SEQ = 8192
TOKENS = BATCH * SEQ

_INFO = plsc.get_sparse_core_info()
NC = _INFO.num_cores
NS = _INFO.num_subcores
LANES = _INFO.num_lanes
NW = NC * NS
TPW = TOKENS // NW
WPB = SEQ // TPW
CHUNK = 256
GPC = CHUNK // LANES
UNROLL = 8

_mesh = plsc.VectorSubcoreMesh(core_axis_name="c", subcore_axis_name="s")


@functools.partial(
    pl.kernel,
    out_type=(
        jax.ShapeDtypeStruct((TOP_K, BATCH, SEQ), jnp.int32),
        jax.ShapeDtypeStruct((TOP_K, BATCH, SEQ), jnp.float32),
        jax.ShapeDtypeStruct((TOP_K, BATCH, SEQ), jnp.float32),
    ),
    mesh=_mesh,
    compiler_params=pltpu.CompilerParams(needs_layout_passes=False),
    scratch_types=[
        pltpu.VMEM((CHUNK, NUM_EXPERTS), jnp.float32),
        pltpu.VMEM((CHUNK, NUM_EXPERTS), jnp.float32),
        pltpu.SemaphoreType.DMA,
        pltpu.SemaphoreType.DMA,
        pltpu.VMEM((NUM_EXPERTS,), jnp.float32),
        pltpu.VMEM((TPW,), jnp.int32),
        pltpu.VMEM((TPW,), jnp.int32),
        pltpu.VMEM((TPW,), jnp.float32),
        pltpu.VMEM((TPW,), jnp.float32),
        pltpu.VMEM((TPW,), jnp.float32),
    ],
)
def _auction(conf_hbm, wealth_hbm, oidx_hbm, orw_hbm, opay_hbm,
             conf_a, conf_b, sem_a, sem_b, wealth_v, e0_v, e1_v, w0_v,
             w1_v, p_v):
    wid = lax.axis_index("s") * NC + lax.axis_index("c")
    b = wid // WPB
    row0 = (wid % WPB) * TPW
    pltpu.sync_copy(wealth_hbm, wealth_v)

    iota = lax.iota(jnp.int32, LANES)
    zeros = jnp.zeros((LANES,), jnp.int32)
    neg_inf = jnp.full((LANES,), -jnp.inf, jnp.float32)

    bufs = (conf_a, conf_b)
    sems = (sem_a, sem_b)
    nchunk = TPW // CHUNK

    def start_fetch(c):
        return pltpu.async_copy(
            conf_hbm.at[b, pl.ds(row0 + c * CHUNK, CHUNK)],
            bufs[c % 2], sems[c % 2])

    handles = [start_fetch(0), None]
    for chunk in range(nchunk):
        if chunk + 1 < nchunk:
            handles[(chunk + 1) % 2] = start_fetch(chunk + 1)
        handles[chunk % 2].wait()
        conf_v = bufs[chunk % 2]

        def group_body(g, carry):
            uv = iota + g * LANES

            def expert_body(_, st):
                m1, m2, m3, i1, i2, ev = st
                for k in range(UNROLL):
                    evk = ev + k
                    col = plsc.load_gather(conf_v, [uv, evk])
                    w = plsc.load_gather(wealth_v, [evk])
                    b_ = col * w
                    gt1 = b_ > m1
                    gt2 = b_ > m2
                    nm3 = jnp.maximum(m3, jnp.minimum(m2, b_))
                    nm2 = jnp.maximum(m2, jnp.minimum(m1, b_))
                    ni2 = jnp.where(gt1, i1, jnp.where(gt2, evk, i2))
                    nm1 = jnp.maximum(m1, b_)
                    ni1 = jnp.where(gt1, evk, i1)
                    m1, m2, m3, i1, i2 = nm1, nm2, nm3, ni1, ni2
                return m1, m2, m3, i1, i2, ev + UNROLL

            m1, m2, m3, i1, i2, _ = lax.fori_loop(
                0, NUM_EXPERTS // UNROLL, expert_body,
                (neg_inf, neg_inf, neg_inf, zeros, zeros, zeros))

            t = jnp.exp(m2 - m1)
            inv = 1.0 / (1.0 + t)
            off = chunk * CHUNK + g * LANES
            e0_v[pl.ds(off, LANES)] = i1
            e1_v[pl.ds(off, LANES)] = i2
            w0_v[pl.ds(off, LANES)] = inv
            w1_v[pl.ds(off, LANES)] = t * inv
            p_v[pl.ds(off, LANES)] = m3
            return carry

        lax.fori_loop(0, GPC, group_body, 0)

    pltpu.sync_copy(e0_v, oidx_hbm.at[0, b, pl.ds(row0, TPW)])
    pltpu.sync_copy(e1_v, oidx_hbm.at[1, b, pl.ds(row0, TPW)])
    pltpu.sync_copy(w0_v, orw_hbm.at[0, b, pl.ds(row0, TPW)])
    pltpu.sync_copy(w1_v, orw_hbm.at[1, b, pl.ds(row0, TPW)])
    pltpu.sync_copy(p_v, opay_hbm.at[0, b, pl.ds(row0, TPW)])
    pltpu.sync_copy(p_v, opay_hbm.at[1, b, pl.ds(row0, TPW)])


def kernel(confidences, wealth):
    oidx, orw, opay = _auction(confidences, wealth)
    perm = (1, 2, 0)
    return (jnp.transpose(oidx, perm), jnp.transpose(orw, perm),
            jnp.transpose(opay, perm))

# --- scband reference (transcript-rebuilt; emitter-appended) ---
"""Pipeline reference for scband-vcgauctioneer-14302241096438 (READ-ONLY COPY).

The authoritative reference and input builder live on the scoring server;
editing this copy changes nothing except your own understanding.
"""

import jax, jax.numpy as jnp
import numpy as np

NUM_EXPERTS = 64
TOP_K = 2

def setup_inputs(seed: int = 0) -> dict:
    key = jax.random.key(seed)
    k1, k2 = jax.random.split(key)
    confidences = jax.random.uniform(k1, (4, 8192, NUM_EXPERTS), dtype=jnp.float32)
    wealth = jax.random.uniform(k2, (NUM_EXPERTS,), dtype=jnp.float32)
    return {"confidences": confidences, "wealth": wealth}

def reference(confidences, wealth):
    # bids = confidences * wealth (broadcast over batch, seq)
    bids = confidences * wealth[None, None, :]
    # top-k winning bids / experts
    top_bids, selected_experts = jax.lax.top_k(bids, TOP_K)
    # VCG payment: (top_k+1)-th highest bid, same for all winners
    if TOP_K < NUM_EXPERTS:
        all_sorted = -jnp.sort(-bids, axis=-1)  # descending sort
        payments = jnp.broadcast_to(all_sorted[:, :, TOP_K:TOP_K + 1], top_bids.shape)
    else:
        payments = jnp.zeros_like(top_bids)
    # differentiable=True and training=True path (straight-through estimator)
    soft_weights = jax.nn.softmax(bids, axis=-1)
    # scatter 1.0 at selected expert indices along last dim
    hard_mask = jnp.sum(jax.nn.one_hot(selected_experts, NUM_EXPERTS, dtype=bids.dtype), axis=-2)
    differentiable_mask = hard_mask + (soft_weights - jax.lax.stop_gradient(soft_weights))
    routing_weights_full = differentiable_mask * jax.nn.softmax(bids, axis=-1)
    routing_weights = jnp.take_along_axis(routing_weights_full, selected_experts, axis=-1)
    routing_weights = routing_weights / (jnp.sum(routing_weights, axis=-1, keepdims=True) + 1e-08)
    return (selected_experts, routing_weights, payments)

if __name__ == "__main__":
    import jax
    _d = setup_inputs()
    print(jax.jit(kernel)(*tuple(_d.values())))

</pallas_src>

<mosaic_0001>
#map = affine_map<(d0, d1) -> (0, 0, 0)>
#map1 = affine_map<(d0, d1) -> (0)>
module attributes {stable_mosaic.version = 14 : i64} {
  func.func @_auction(%arg0: i32, %arg1: i32, %arg2: memref<4x8192x64xf32, #tpu.memory_space<hbm>>, %arg3: memref<64xf32, #tpu.memory_space<hbm>>, %arg4: memref<2x4x8192xi32, #tpu.memory_space<hbm>>, %arg5: memref<2x4x8192xf32, #tpu.memory_space<hbm>>, %arg6: memref<2x4x8192xf32, #tpu.memory_space<hbm>>, %arg7: memref<256x64xf32, #tpu.memory_space<vmem>>, %arg8: memref<256x64xf32, #tpu.memory_space<vmem>>, %arg9: memref<!tpu.dma_semaphore, #tpu.memory_space<semaphore_mem>>, %arg10: memref<!tpu.dma_semaphore, #tpu.memory_space<semaphore_mem>>, %arg11: memref<64xf32, #tpu.memory_space<vmem>>, %arg12: memref<1024xi32, #tpu.memory_space<vmem>>, %arg13: memref<1024xi32, #tpu.memory_space<vmem>>, %arg14: memref<1024xf32, #tpu.memory_space<vmem>>, %arg15: memref<1024xf32, #tpu.memory_space<vmem>>, %arg16: memref<1024xf32, #tpu.memory_space<vmem>>) attributes {dimension_semantics = [#tpu.dimension_semantics<core_parallel>, #tpu.dimension_semantics<subcore_parallel>], iteration_bounds = array<i64: 2, 16>, scalar_prefetch = 0 : i64, scratch_operands = 10 : i64, tpu.core_type = #tpu.core_type<sc_vector_subcore>, window_params = [{transform_indices = #map}, {transform_indices = #map1}, {transform_indices = #map}, {transform_indices = #map}, {transform_indices = #map}]} {
    %mul3A = arith.constant 2 : i32
    %mul3A_0 = arith.muli %arg1, %mul3A : i32
    %add3A = arith.addi %mul3A_0, %arg0 : i32
    %jit3A = arith.constant 8 : i32
    %div3A = arith.divsi %add3A, %jit3A : i32
    %sign3A = arith.constant 0 : i32
    %sign3A_1 = arith.cmpi sgt, %add3A, %sign3A : i32
    %sign3A_2 = arith.extui %sign3A_1 : i1 to i32
    %sign3A_3 = arith.constant 0 : i32
    %sign3A_4 = arith.cmpi slt, %add3A, %sign3A_3 : i32
    %sign3A_5 = arith.extui %sign3A_4 : i1 to i32
    %sign3A_6 = arith.subi %sign3A_2, %sign3A_5 : i32
    %sign3A_7 = arith.constant 0 : i32
    %sign3A_8 = arith.cmpi sgt, %jit3A, %sign3A_7 : i32
    %sign3A_9 = arith.extui %sign3A_8 : i1 to i32
    %sign3A_10 = arith.constant 0 : i32
    %sign3A_11 = arith.cmpi slt, %jit3A, %sign3A_10 : i32
    %sign3A_12 = arith.extui %sign3A_11 : i1 to i32
    %sign3A_13 = arith.subi %sign3A_9, %sign3A_12 : i32
    %ne3A = arith.cmpi ne, %sign3A_6, %sign3A_13 : i32
    %rem3A = arith.remsi %add3A, %jit3A : i32
    %ne3A_14 = arith.constant 0 : i32
    %ne3A_15 = arith.cmpi ne, %rem3A, %ne3A_14 : i32
    %and3A = arith.andi %ne3A, %ne3A_15 : i1
    %sub3A = arith.constant 1 : i32
    %sub3A_16 = arith.subi %div3A, %sub3A : i32
    %select_n3A = arith.select %and3A, %sub3A_16, %div3A : i32
    %jit3A_17 = arith.constant 8 : i32
    %eq3A = arith.constant 0 : i32
    %eq3A_18 = arith.cmpi eq, %jit3A_17, %eq3A : i32
    %jit3A_19 = arith.constant 1 : i32
    %select_n3A_20 = arith.select %eq3A_18, %jit3A_19, %jit3A_17 : i32
    %rem3A_21 = arith.remsi %add3A, %select_n3A_20 : i32
    %ne3A_22 = arith.constant 0 : i32
    %ne3A_23 = arith.cmpi ne, %rem3A_21, %ne3A_22 : i32
    %lt3A = arith.constant 0 : i32
    %lt3A_24 = arith.cmpi slt, %rem3A_21, %lt3A : i32
    %lt3A_25 = arith.constant 0 : i32
    %lt3A_26 = arith.cmpi slt, %select_n3A_20, %lt3A_25 : i32
    %ne3A_27 = arith.xori %lt3A_24, %lt3A_26 : i1
    %and3A_28 = arith.andi %ne3A_27, %ne3A_23 : i1
    %add3A_29 = arith.addi %rem3A_21, %select_n3A_20 : i32
    %select_n3A_30 = arith.select %and3A_28, %add3A_29, %rem3A_21 : i32
    %mul3A_31 = arith.constant 1024 : i32
    %mul3A_32 = arith.muli %select_n3A_30, %mul3A_31 : i32
    "tpu.region"() ({
      %run_scoped3A_118 = tpu.sem_alloc : memref<!tpu.dma_semaphore, #tpu.memory_space<semaphore_mem>>
      tpu.enqueue_dma source(%arg3 : memref<64xf32, #tpu.memory_space<hbm>>) target(%arg11 : memref<64xf32, #tpu.memory_space<vmem>>) target_semaphore(%run_scoped3A_118 : memref<!tpu.dma_semaphore, #tpu.memory_space<semaphore_mem>>)
      tpu.wait_dma2 semaphore(%run_scoped3A_118 : memref<!tpu.dma_semaphore, #tpu.memory_space<semaphore_mem>>) src(%arg3 : memref<64xf32, #tpu.memory_space<hbm>>) dst(%arg11 : memref<64xf32, #tpu.memory_space<vmem>>)
      tpu.yield
    }) : () -> ()
    %iota3A = tpu.iota {dimensions = array<i32: 0>} : vector<16xi32>
    %broadcast_in_dim3A = arith.constant 0 : i32
    %broadcast_in_dim3A_33 = vector.broadcast %broadcast_in_dim3A : i32 to vector<16xi32>
    %broadcast_in_dim3A_34 = arith.constant 0xFF800000 : f32
    %broadcast_in_dim3A_35 = vector.broadcast %broadcast_in_dim3A_34 : f32 to vector<16xf32>
    %add3A_36 = arith.constant 0 : i32
    %add3A_37 = arith.addi %mul3A_32, %add3A_36 : i32
    %dma_start3A = arith.constant 0 : i32
    %dma_start3A_38 = tpu.memref_slice %arg2[%select_n3A, %add3A_37, %dma_start3A] : memref<4x8192x64xf32, #tpu.memory_space<hbm>> -> memref<1x256x64xf32, #tpu.memory_space<hbm>>
    %dma_start3A_39 = tpu.memref_squeeze %dma_start3A_38 : memref<1x256x64xf32, #tpu.memory_space<hbm>> -> memref<256x64xf32, #tpu.memory_space<hbm>>
    %dma_start3A_40 = arith.constant 0 : i32
    %dma_start3A_41 = tpu.memref_slice %arg2[%select_n3A, %add3A_37, %dma_start3A_40] : memref<4x8192x64xf32, #tpu.memory_space<hbm>> -> memref<1x256x64xf32, #tpu.memory_space<hbm>>
    %dma_start3A_42 = tpu.memref_squeeze %dma_start3A_41 : memref<1x256x64xf32, #tpu.memory_space<hbm>> -> memref<256x64xf32, #tpu.memory_space<hbm>>
    tpu.enqueue_dma source(%dma_start3A_42 : memref<256x64xf32, #tpu.memory_space<hbm>>) target(%arg7 : memref<256x64xf32, #tpu.memory_space<vmem>>) target_semaphore(%arg9 : memref<!tpu.dma_semaphore, #tpu.memory_space<semaphore_mem>>)
    %add3A_43 = arith.constant 256 : i32
    %add3A_44 = arith.addi %mul3A_32, %add3A_43 : i32
    %dma_start3A_45 = arith.constant 0 : i32
    %dma_start3A_46 = tpu.memref_slice %arg2[%select_n3A, %add3A_44, %dma_start3A_45] : memref<4x8192x64xf32, #tpu.memory_space<hbm>> -> memref<1x256x64xf32, #tpu.memory_space<hbm>>
    %dma_start3A_47 = tpu.memref_squeeze %dma_start3A_46 : memref<1x256x64xf32, #tpu.memory_space<hbm>> -> memref<256x64xf32, #tpu.memory_space<hbm>>
    %dma_start3A_48 = arith.constant 0 : i32
    %dma_start3A_49 = tpu.memref_slice %arg2[%select_n3A, %add3A_44, %dma_start3A_48] : memref<4x8192x64xf32, #tpu.memory_space<hbm>> -> memref<1x256x64xf32, #tpu.memory_space<hbm>>
    %dma_start3A_50 = tpu.memref_squeeze %dma_start3A_49 : memref<1x256x64xf32, #tpu.memory_space<hbm>> -> memref<256x64xf32, #tpu.memory_space<hbm>>
    tpu.enqueue_dma source(%dma_start3A_50 : memref<256x64xf32, #tpu.memory_space<hbm>>) target(%arg8 : memref<256x64xf32, #tpu.memory_space<vmem>>) target_semaphore(%arg10 : memref<!tpu.dma_semaphore, #tpu.memory_space<semaphore_mem>>)
    %dma_wait3A = arith.constant 0 : i32
    %dma_wait3A_51 = tpu.memref_slice %arg2[%select_n3A, %add3A_37, %dma_wait3A] : memref<4x8192x64xf32, #tpu.memory_space<hbm>> -> memref<1x256x64xf32, #tpu.memory_space<hbm>>
    %dma_wait3A_52 = tpu.memref_squeeze %dma_wait3A_51 : memref<1x256x64xf32, #tpu.memory_space<hbm>> -> memref<256x64xf32, #tpu.memory_space<hbm>>
    %dma_wait3A_53 = arith.constant 0 : i32
    %dma_wait3A_54 = tpu.memref_slice %arg2[%select_n3A, %add3A_37, %dma_wait3A_53] : memref<4x8192x64xf32, #tpu.memory_space<hbm>> -> memref<1x256x64xf32, #tpu.memory_space<hbm>>
    %dma_wait3A_55 = tpu.memref_squeeze %dma_wait3A_54 : memref<1x256x64xf32, #tpu.memory_space<hbm>> -> memref<256x64xf32, #tpu.memory_space<hbm>>
    tpu.wait_dma2 semaphore(%arg9 : memref<!tpu.dma_semaphore, #tpu.memory_space<semaphore_mem>>) src(%dma_wait3A_55 : memref<256x64xf32, #tpu.memory_space<hbm>>) dst(%arg7 : memref<256x64xf32, #tpu.memory_space<vmem>>)
    %scan3A = arith.constant 0 : i32
    %scan3A_56 = arith.constant 0 : i32
    %scan3A_57 = arith.constant 16 : i32
    %scan3A_58 = arith.addi %scan3A_56, %scan3A_57 : i32
    %scan3A_59 = arith.constant 1 : i32
    scf.for %scan3A_118 = %scan3A_56 to %scan3A_58 step %scan3A_59  : i32 {
      %mul3A_119 = arith.constant 16 : i32
      %mul3A_120 = arith.muli %scan3A_118, %mul3A_119 : i32
      %add3A_121 = vector.broadcast %mul3A_120 : i32 to vector<16xi32>
      %add3A_122 = arith.addi %iota3A, %add3A_121 : vector<16xi32>
      %scan3A_123 = arith.constant 0 : i32
      %scan3A_124 = arith.constant 8 : i32
      %scan3A_125 = arith.addi %scan3A_123, %scan3A_124 : i32
      %scan3A_126 = arith.constant 1 : i32
      %scan3A_127:6 = scf.for %scan3A_150 = %scan3A_123 to %scan3A_125 step %scan3A_126 iter_args(%scan3A_151 = %broadcast_in_dim3A_35, %scan3A_152 = %broadcast_in_dim3A_35, %scan3A_153 = %broadcast_in_dim3A_35, %scan3A_154 = %broadcast_in_dim3A_33, %scan3A_155 = %broadcast_in_dim3A_33, %scan3A_156 = %broadcast_in_dim3A_33) -> (vector<16xf32>, vector<16xf32>, vector<16xf32>, vector<16xi32>, vector<16xi32>, vector<16xi32>)  : i32 {
        %add3A_157 = arith.constant 0 : i32
        %add3A_158 = vector.broadcast %add3A_157 : i32 to vector<16xi32>
        %add3A_159 = arith.addi %scan3A_156, %add3A_158 : vector<16xi32>
        %gather3A = tpu.vector_load_idx %arg7[%add3A_122, %add3A_159] : memref<256x64xf32, #tpu.memory_space<vmem>>[vector<16xi32>, vector<16xi32>], vector<16xf32>,
        %gather3A_160 = tpu.vector_load_idx %arg11[%add3A_159] : memref<64xf32, #tpu.memory_space<vmem>>[vector<16xi32>], vector<16xf32>,
        %mul3A_161 = arith.mulf %gather3A, %gather3A_160 : vector<16xf32>
        %gt3A = arith.cmpf ogt, %mul3A_161, %scan3A_151 : vector<16xf32>
        %gt3A_162 = arith.cmpf ogt, %mul3A_161, %scan3A_152 : vector<16xf32>
        %min3A = arith.minimumf %scan3A_152, %mul3A_161 : vector<16xf32>
        %max3A = arith.maximumf %scan3A_153, %min3A : vector<16xf32>
        %min3A_163 = arith.minimumf %scan3A_151, %mul3A_161 : vector<16xf32>
        %max3A_164 = arith.maximumf %scan3A_152, %min3A_163 : vector<16xf32>
        %select_n3A_165 = arith.select %gt3A_162, %add3A_159, %scan3A_155 : vector<16xi1>, vector<16xi32>
        %select_n3A_166 = arith.select %gt3A, %scan3A_154, %select_n3A_165 : vector<16xi1>, vector<16xi32>
        %max3A_167 = arith.maximumf %scan3A_151, %mul3A_161 : vector<16xf32>
        %select_n3A_168 = arith.select %gt3A, %add3A_159, %scan3A_154 : vector<16xi1>, vector<16xi32>
        %add3A_169 = arith.constant 1 : i32
        %add3A_170 = vector.broadcast %add3A_169 : i32 to vector<16xi32>
        %add3A_171 = arith.addi %scan3A_156, %add3A_170 : vector<16xi32>
        %gather3A_172 = tpu.vector_load_idx %arg7[%add3A_122, %add3A_171] : memref<256x64xf32, #tpu.memory_space<vmem>>[vector<16xi32>, vector<16xi32>], vector<16xf32>,
        %gather3A_173 = tpu.vector_load_idx %arg11[%add3A_171] : memref<64xf32, #tpu.memory_space<vmem>>[vector<16xi32>], vector<16xf32>,
        %mul3A_174 = arith.mulf %gather3A_172, %gather3A_173 : vector<16xf32>
        %gt3A_175 = arith.cmpf ogt, %mul3A_174, %max3A_167 : vector<16xf32>
        %gt3A_176 = arith.cmpf ogt, %mul3A_174, %max3A_164 : vector<16xf32>
        %min3A_177 = arith.minimumf %max3A_164, %mul3A_174 : vector<16xf32>
        %max3A_178 = arith.maximumf %max3A, %min3A_177 : vector<16xf32>
        %min3A_179 = arith.minimumf %max3A_167, %mul3A_174 : vector<16xf32>
        %max3A_180 = arith.maximumf %max3A_164, %min3A_179 : vector<16xf32>
        %select_n3A_181 = arith.select %gt3A_176, %add3A_171, %select_n3A_166 : vector<16xi1>, vector<16xi32>
        %select_n3A_182 = arith.select %gt3A_175, %select_n3A_168, %select_n3A_181 : vector<16xi1>, vector<16xi32>
        %max3A_183 = arith.maximumf %max3A_167, %mul3A_174 : vector<16xf32>
        %select_n3A_184 = arith.select %gt3A_175, %add3A_171, %select_n3A_168 : vector<16xi1>, vector<16xi32>
        %add3A_185 = arith.constant 2 : i32
        %add3A_186 = vector.broadcast %add3A_185 : i32 to vector<16xi32>
        %add3A_187 = arith.addi %scan3A_156, %add3A_186 : vector<16xi32>
        %gather3A_188 = tpu.vector_load_idx %arg7[%add3A_122, %add3A_187] : memref<256x64xf32, #tpu.memory_space<vmem>>[vector<16xi32>, vector<16xi32>], vector<16xf32>,
        %gather3A_189 = tpu.vector_load_idx %arg11[%add3A_187] : memref<64xf32, #tpu.memory_space<vmem>>[vector<16xi32>], vector<16xf32>,
        %mul3A_190 = arith.mulf %gather3A_188, %gather3A_189 : vector<16xf32>
        %gt3A_191 = arith.cmpf ogt, %mul3A_190, %max3A_183 : vector<16xf32>
        %gt3A_192 = arith.cmpf ogt, %mul3A_190, %max3A_180 : vector<16xf32>
        %min3A_193 = arith.minimumf %max3A_180, %mul3A_190 : vector<16xf32>
        %max3A_194 = arith.maximumf %max3A_178, %min3A_193 : vector<16xf32>
        %min3A_195 = arith.minimumf %max3A_183, %mul3A_190 : vector<16xf32>
        %max3A_196 = arith.maximumf %max3A_180, %min3A_195 : vector<16xf32>
        %select_n3A_197 = arith.select %gt3A_192, %add3A_187, %select_n3A_182 : vector<16xi1>, vector<16xi32>
        %select_n3A_198 = arith.select %gt3A_191, %select_n3A_184, %select_n3A_197 : vector<16xi1>, vector<16xi32>
        %max3A_199 = arith.maximumf %max3A_183, %mul3A_190 : vector<16xf32>
        %select_n3A_200 = arith.select %gt3A_191, %add3A_187, %select_n3A_184 : vector<16xi1>, vector<16xi32>
        %add3A_201 = arith.constant 3 : i32
        %add3A_202 = vector.broadcast %add3A_201 : i32 to vector<16xi32>
        %add3A_203 = arith.addi %scan3A_156, %add3A_202 : vector<16xi32>
        %gather3A_204 = tpu.vector_load_idx %arg7[%add3A_122, %add3A_203] : memref<256x64xf32, #tpu.memory_space<vmem>>[vector<16xi32>, vector<16xi32>], vector<16xf32>,
        %gather3A_205 = tpu.vector_load_idx %arg11[%add3A_203] : memref<64xf32, #tpu.memory_space<vmem>>[vector<16xi32>], vector<16xf32>,
        %mul3A_206 = arith.mulf %gather3A_204, %gather3A_205 : vector<16xf32>
        %gt3A_207 = arith.cmpf ogt, %mul3A_206, %max3A_199 : vector<16xf32>
        %gt3A_208 = arith.cmpf ogt, %mul3A_206, %max3A_196 : vector<16xf32>
        %min3A_209 = arith.minimumf %max3A_196, %mul3A_206 : vector<16xf32>
        %max3A_210 = arith.maximumf %max3A_194, %min3A_209 : vector<16xf32>
        %min3A_211 = arith.minimumf %max3A_199, %mul3A_206 : vector<16xf32>
        %max3A_212 = arith.maximumf %max3A_196, %min3A_211 : vector<16xf32>
        %select_n3A_213 = arith.select %gt3A_208, %add3A_203, %select_n3A_198 : vector<16xi1>, vector<16xi32>
        %select_n3A_214 = arith.select %gt3A_207, %select_n3A_200, %select_n3A_213 : vector<16xi1>, vector<16xi32>
        %max3A_215 = arith.maximumf %max3A_199, %mul3A_206 : vector<16xf32>
        %select_n3A_216 = arith.select %gt3A_207, %add3A_203, %select_n3A_200 : vector<16xi1>, vector<16xi32>
        %add3A_217 = arith.constant 4 : i32
        %add3A_218 = vector.broadcast %add3A_217 : i32 to vector<16xi32>
        %add3A_219 = arith.addi %scan3A_156, %add3A_218 : vector<16xi32>
        %gather3A_220 = tpu.vector_load_idx %arg7[%add3A_122, %add3A_219] : memref<256x64xf32, #tpu.memory_space<vmem>>[vector<16xi32>, vector<16xi32>], vector<16xf32>,
        %gather3A_221 = tpu.vector_load_idx %arg11[%add3A_219] : memref<64xf32, #tpu.memory_space<vmem>>[vector<16xi32>], vector<16xf32>,
        %mul3A_222 = arith.mulf %gather3A_220, %gather3A_221 : vector<16xf32>
        %gt3A_223 = arith.cmpf ogt, %mul3A_222, %max3A_215 : vector<16xf32>
        %gt3A_224 = arith.cmpf ogt, %mul3A_222, %max3A_212 : vector<16xf32>
        %min3A_225 = arith.minimumf %max3A_212, %mul3A_222 : vector<16xf32>
        %max3A_226 = arith.maximumf %max3A_210, %min3A_225 : vector<16xf32>
        %min3A_227 = arith.minimumf %max3A_215, %mul3A_222 : vector<16xf32>
        %max3A_228 = arith.maximumf %max3A_212, %min3A_227 : vector<16xf32>
        %select_n3A_229 = arith.select %gt3A_224, %add3A_219, %select_n3A_214 : vector<16xi1>, vector<16xi32>
        %select_n3A_230 = arith.select %gt3A_223, %select_n3A_216, %select_n3A_229 : vector<16xi1>, vector<16xi32>
        %max3A_231 = arith.maximumf %max3A_215, %mul3A_222 : vector<16xf32>
        %select_n3A_232 = arith.select %gt3A_223, %add3A_219, %select_n3A_216 : vector<16xi1>, vector<16xi32>
        %add3A_233 = arith.constant 5 : i32
        %add3A_234 = vector.broadcast %add3A_233 : i32 to vector<16xi32>
        %add3A_235 = arith.addi %scan3A_156, %add3A_234 : vector<16xi32>
        %gather3A_236 = tpu.vector_load_idx %arg7[%add3A_122, %add3A_235] : memref<256x64xf32, #tpu.memory_space<vmem>>[vector<16xi32>, vector<16xi32>], vector<16xf32>,
        %gather3A_237 = tpu.vector_load_idx %arg11[%add3A_235] : memref<64xf32, #tpu.memory_space<vmem>>[vector<16xi32>], vector<16xf32>,
        %mul3A_238 = arith.mulf %gather3A_236, %gather3A_237 : vector<16xf32>
        %gt3A_239 = arith.cmpf ogt, %mul3A_238, %max3A_231 : vector<16xf32>
        %gt3A_240 = arith.cmpf ogt, %mul3A_238, %max3A_228 : vector<16xf32>
        %min3A_241 = arith.minimumf %max3A_228, %mul3A_238 : vector<16xf32>
        %max3A_242 = arith.maximumf %max3A_226, %min3A_241 : vector<16xf32>
        %min3A_243 = arith.minimumf %max3A_231, %mul3A_238 : vector<16xf32>
        %max3A_244 = arith.maximumf %max3A_228, %min3A_243 : vector<16xf32>
        %select_n3A_245 = arith.select %gt3A_240, %add3A_235, %select_n3A_230 : vector<16xi1>, vector<16xi32>
        %select_n3A_246 = arith.select %gt3A_239, %select_n3A_232, %select_n3A_245 : vector<16xi1>, vector<16xi32>
        %max3A_247 = arith.maximumf %max3A_231, %mul3A_238 : vector<16xf32>
        %select_n3A_248 = arith.select %gt3A_239, %add3A_235, %select_n3A_232 : vector<16xi1>, vector<16xi32>
        %add3A_249 = arith.constant 6 : i32
        %add3A_250 = vector.broadcast %add3A_249 : i32 to vector<16xi32>
        %add3A_251 = arith.addi %scan3A_156, %add3A_250 : vector<16xi32>
        %gather3A_252 = tpu.vector_load_idx %arg7[%add3A_122, %add3A_251] : memref<256x64xf32, #tpu.memory_space<vmem>>[vector<16xi32>, vector<16xi32>], vector<16xf32>,
        %gather3A_253 = tpu.vector_load_idx %arg11[%add3A_251] : memref<64xf32, #tpu.memory_space<vmem>>[vector<16xi32>], vector<16xf32>,
        %mul3A_254 = arith.mulf %gather3A_252, %gather3A_253 : vector<16xf32>
        %gt3A_255 = arith.cmpf ogt, %mul3A_254, %max3A_247 : vector<16xf32>
        %gt3A_256 = arith.cmpf ogt, %mul3A_254, %max3A_244 : vector<16xf32>
        %min3A_257 = arith.minimumf %max3A_244, %mul3A_254 : vector<16xf32>
        %max3A_258 = arith.maximumf %max3A_242, %min3A_257 : vector<16xf32>
        %min3A_259 = arith.minimumf %max3A_247, %mul3A_254 : vector<16xf32>
        %max3A_260 = arith.maximumf %max3A_244, %min3A_259 : vector<16xf32>
        %select_n3A_261 = arith.select %gt3A_256, %add3A_251, %select_n3A_246 : vector<16xi1>, vector<16xi32>
        %select_n3A_262 = arith.select %gt3A_255, %select_n3A_248, %select_n3A_261 : vector<16xi1>, vector<16xi32>
        %max3A_263 = arith.maximumf %max3A_247, %mul3A_254 : vector<16xf32>
        %select_n3A_264 = arith.select %gt3A_255, %add3A_251, %select_n3A_248 : vector<16xi1>, vector<16xi32>
        %add3A_265 = arith.constant 7 : i32
        %add3A_266 = vector.broadcast %add3A_265 : i32 to vector<16xi32>
        %add3A_267 = arith.addi %scan3A_156, %add3A_266 : vector<16xi32>
        %gather3A_268 = tpu.vector_load_idx %arg7[%add3A_122, %add3A_267] : memref<256x64xf32, #tpu.memory_space<vmem>>[vector<16xi32>, vector<16xi32>], vector<16xf32>,
        %gather3A_269 = tpu.vector_load_idx %arg11[%add3A_267] : memref<64xf32, #tpu.memory_space<vmem>>[vector<16xi32>], vector<16xf32>,
        %mul3A_270 = arith.mulf %gather3A_268, %gather3A_269 : vector<16xf32>
        %gt3A_271 = arith.cmpf ogt, %mul3A_270, %max3A_263 : vector<16xf32>
        %gt3A_272 = arith.cmpf ogt, %mul3A_270, %max3A_260 : vector<16xf32>
        %min3A_273 = arith.minimumf %max3A_260, %mul3A_270 : vector<16xf32>
        %max3A_274 = arith.maximumf %max3A_258, %min3A_273 : vector<16xf32>
        %min3A_275 = arith.minimumf %max3A_263, %mul3A_270 : vector<16xf32>
        %max3A_276 = arith.maximumf %max3A_260, %min3A_275 : vector<16xf32>
        %select_n3A_277 = arith.select %gt3A_272, %add3A_267, %select_n3A_262 : vector<16xi1>, vector<16xi32>
        %select_n3A_278 = arith.select %gt3A_271, %select_n3A_264, %select_n3A_277 : vector<16xi1>, vector<16xi32>
        %max3A_279 = arith.maximumf %max3A_263, %mul3A_270 : vector<16xf32>
        %select_n3A_280 = arith.select %gt3A_271, %add3A_267, %select_n3A_264 : vector<16xi1>, vector<16xi32>
        %add3A_281 = arith.constant 8 : i32
        %add3A_282 = vector.broadcast %add3A_281 : i32 to vector<16xi32>
        %add3A_283 = arith.addi %scan3A_156, %add3A_282 : vector<16xi32>
        scf.yield %max3A_279, %max3A_276, %max3A_274, %select_n3A_280, %select_n3A_278, %add3A_283 : vector<16xf32>, vector<16xf32>, vector<16xf32>, vector<16xi32>, vector<16xi32>, vector<16xi32>
      }
      %scan3A_128 = arith.constant 8 : i32
      %sub3A_129 = arith.subf %scan3A_127#1, %scan3A_127#0 : vector<16xf32>
      %exp3A = math.exp %sub3A_129 : vector<16xf32>
      %add3A_130 = arith.constant 1.000000e+00 : f32
      %add3A_131 = vector.broadcast %add3A_130 : f32 to vector<16xf32>
      %add3A_132 = arith.addf %add3A_131, %exp3A : vector<16xf32>
      %div3A_133 = arith.constant 1.000000e+00 : f32
      %div3A_134 = vector.broadcast %div3A_133 : f32 to vector<16xf32>
      %div3A_135 = arith.divf %div3A_134, %add3A_132 : vector<16xf32>
      %mul3A_136 = arith.constant 16 : i32
      %mul3A_137 = arith.muli %scan3A_118, %mul3A_136 : i32
      %add3A_138 = arith.constant 0 : i32
      %add3A_139 = arith.addi %add3A_138, %mul3A_137 : i32
      %swap3A = arith.index_cast %add3A_139 : i32 to index
      %swap3A_140 = tpu.vector_load %arg12[%swap3A] {strides = array<i32>} : memref<1024xi32, #tpu.memory_space<vmem>>, vector<16xi32>,
      tpu.vector_store %arg12[%swap3A], %scan3A_127#3 {strides = array<i32>} : memref<1024xi32, #tpu.memory_space<vmem>>, vector<16xi32>,
      %swap3A_141 = arith.index_cast %add3A_139 : i32 to index
      %swap3A_142 = tpu.vector_load %arg13[%swap3A_141] {strides = array<i32>} : memref<1024xi32, #tpu.memory_space<vmem>>, vector<16xi32>,
      tpu.vector_store %arg13[%swap3A_141], %scan3A_127#4 {strides = array<i32>} : memref<1024xi32, #tpu.memory_space<vmem>>, vector<16xi32>,
      %swap3A_143 = arith.index_cast %add3A_139 : i32 to index
      %swap3A_144 = tpu.vector_load %arg14[%swap3A_143] {strides = array<i32>} : memref<1024xf32, #tpu.memory_space<vmem>>, vector<16xf32>,
      tpu.vector_store %arg14[%swap3A_143], %div3A_135 {strides = array<i32>} : memref<1024xf32, #tpu.memory_space<vmem>>, vector<16xf32>,
      %mul3A_145 = arith.mulf %exp3A, %div3A_135 : vector<16xf32>
      %swap3A_146 = arith.index_cast %add3A_139 : i32 to index
      %swap3A_147 = tpu.vector_load %arg15[%swap3A_146] {strides = array<i32>} : memref<1024xf32, #tpu.memory_space<vmem>>, vector<16xf32>,
      tpu.vector_store %arg15[%swap3A_146], %mul3A_145 {strides = array<i32>} : memref<1024xf32, #tpu.memory_space<vmem>>, vector<16xf32>,
      %swap3A_148 = arith.index_cast %add3A_139 : i32 to index
      %swap3A_149 = tpu.vector_load %arg16[%swap3A_148] {strides = array<i32>} : memref<1024xf32, #tpu.memory_space<vmem>>, vector<16xf32>,
      tpu.vector_store %arg16[%swap3A_148], %scan3A_127#2 {strides = array<i32>} : memref<1024xf32, #tpu.memory_space<vmem>>, vector<16xf32>,
    }
    %scan3A_60 = arith.constant 16 : i32
    %add3A_61 = arith.constant 512 : i32
    %add3A_62 = arith.addi %mul3A_32, %add3A_61 : i32
    %dma_start3A_63 = arith.constant 0 : i32
    %dma_start3A_64 = tpu.memref_slice %arg2[%select_n3A, %add3A_62, %dma_start3A_63] : memref<4x8192x64xf32, #tpu.memory_space<hbm>> -> memref<1x256x64xf32, #tpu.memory_space<hbm>>
    %dma_start3A_65 = tpu.memref_squeeze %dma_start3A_64 : memref<1x256x64xf32, #tpu.memory_space<hbm>> -> memref<256x64xf32, #tpu.memory_space<hbm>>
    %dma_start3A_66 = arith.constant 0 : i32
    %dma_start3A_67 = tpu.memref_slice %arg2[%select_n3A, %add3A_62, %dma_start3A_66] : memref<4x8192x64xf32, #tpu.memory_space<hbm>> -> memref<1x256x64xf32, #tpu.memory_space<hbm>>
    %dma_start3A_68 = tpu.memref_squeeze %dma_start3A_67 : memref<1x256x64xf32, #tpu.memory_space<hbm>> -> memref<256x64xf32, #tpu.memory_space<hbm>>
    tpu.enqueue_dma source(%dma_start3A_68 : memref<256x64xf32, #tpu.memory_space<hbm>>) target(%arg7 : memref<256x64xf32, #tpu.memory_space<vmem>>) target_semaphore(%arg9 : memref<!tpu.dma_semaphore, #tpu.memory_space<semaphore_mem>>)
    %dma_wait3A_69 = arith.constant 0 : i32
    %dma_wait3A_70 = tpu.memref_slice %arg2[%select_n3A, %add3A_44, %dma_wait3A_69] : memref<4x8192x64xf32, #tpu.memory_space<hbm>> -> memref<1x256x64xf32, #tpu.memory_space<hbm>>
    %dma_wait3A_71 = tpu.memref_squeeze %dma_wait3A_70 : memref<1x256x64xf32, #tpu.memory_space<hbm>> -> memref<256x64xf32, #tpu.memory_space<hbm>>
    %dma_wait3A_72 = arith.constant 0 : i32
    %dma_wait3A_73 = tpu.memref_slice %arg2[%select_n3A, %add3A_44, %dma_wait3A_72] : memref<4x8192x64xf32, #tpu.memory_space<hbm>> -> memref<1x256x64xf32, #tpu.memory_space<hbm>>
    %dma_wait3A_74 = tpu.memref_squeeze %dma_wait3A_73 : memref<1x256x64xf32, #tpu.memory_space<hbm>> -> memref<256x64xf32, #tpu.memory_space<hbm>>
    tpu.wait_dma2 semaphore(%arg10 : memref<!tpu.dma_semaphore, #tpu.memory_space<semaphore_mem>>) src(%dma_wait3A_74 : memref<256x64xf32, #tpu.memory_space<hbm>>) dst(%arg8 : memref<256x64xf32, #tpu.memory_space<vmem>>)
    %scan3A_75 = arith.constant 0 : i32
    %scan3A_76 = arith.constant 0 : i32
    %scan3A_77 = arith.constant 16 : i32
    %scan3A_78 = arith.addi %scan3A_76, %scan3A_77 : i32
    %scan3A_79 = arith.constant 1 : i32
    scf.for %scan3A_118 = %scan3A_76 to %scan3A_78 step %scan3A_79  : i32 {
      %mul3A_119 = arith.constant 16 : i32
      %mul3A_120 = arith.muli %scan3A_118, %mul3A_119 : i32
      %add3A_121 = vector.broadcast %mul3A_120 : i32 to vector<16xi32>
      %add3A_122 = arith.addi %iota3A, %add3A_121 : vector<16xi32>
      %scan3A_123 = arith.constant 0 : i32
      %scan3A_124 = arith.constant 8 : i32
      %scan3A_125 = arith.addi %scan3A_123, %scan3A_124 : i32
      %scan3A_126 = arith.constant 1 : i32
      %scan3A_127:6 = scf.for %scan3A_150 = %scan3A_123 to %scan3A_125 step %scan3A_126 iter_args(%scan3A_151 = %broadcast_in_dim3A_35, %scan3A_152 = %broadcast_in_dim3A_35, %scan3A_153 = %broadcast_in_dim3A_35, %scan3A_154 = %broadcast_in_dim3A_33, %scan3A_155 = %broadcast_in_dim3A_33, %scan3A_156 = %broadcast_in_dim3A_33) -> (vector<16xf32>, vector<16xf32>, vector<16xf32>, vector<16xi32>, vector<16xi32>, vector<16xi32>)  : i32 {
        %add3A_157 = arith.constant 0 : i32
        %add3A_158 = vector.broadcast %add3A_157 : i32 to vector<16xi32>
        %add3A_159 = arith.addi %scan3A_156, %add3A_158 : vector<16xi32>
        %gather3A = tpu.vector_load_idx %arg8[%add3A_122, %add3A_159] : memref<256x64xf32, #tpu.memory_space<vmem>>[vector<16xi32>, vector<16xi32>], vector<16xf32>,
        %gather3A_160 = tpu.vector_load_idx %arg11[%add3A_159] : memref<64xf32, #tpu.memory_space<vmem>>[vector<16xi32>], vector<16xf32>,
        %mul3A_161 = arith.mulf %gather3A, %gather3A_160 : vector<16xf32>
        %gt3A = arith.cmpf ogt, %mul3A_161, %scan3A_151 : vector<16xf32>
        %gt3A_162 = arith.cmpf ogt, %mul3A_161, %scan3A_152 : vector<16xf32>
        %min3A = arith.minimumf %scan3A_152, %mul3A_161 : vector<16xf32>
        %max3A = arith.maximumf %scan3A_153, %min3A : vector<16xf32>
        %min3A_163 = arith.minimumf %scan3A_151, %mul3A_161 : vector<16xf32>
        %max3A_164 = arith.maximumf %scan3A_152, %min3A_163 : vector<16xf32>
        %select_n3A_165 = arith.select %gt3A_162, %add3A_159, %scan3A_155 : vector<16xi1>, vector<16xi32>
        %select_n3A_166 = arith.select %gt3A, %scan3A_154, %select_n3A_165 : vector<16xi1>, vector<16xi32>
        %max3A_167 = arith.maximumf %scan3A_151, %mul3A_161 : vector<16xf32>
        %select_n3A_168 = arith.select %gt3A, %add3A_159, %scan3A_154 : vector<16xi1>, vector<16xi32>
        %add3A_169 = arith.constant 1 : i32
        %add3A_170 = vector.broadcast %add3A_169 : i32 to vector<16xi32>
        %add3A_171 = arith.addi %scan3A_156, %add3A_170 : vector<16xi32>
        %gather3A_172 = tpu.vector_load_idx %arg8[%add3A_122, %add3A_171] : memref<256x64xf32, #tpu.memory_space<vmem>>[vector<16xi32>, vector<16xi32>], vector<16xf32>,
        %gather3A_173 = tpu.vector_load_idx %arg11[%add3A_171] : memref<64xf32, #tpu.memory_space<vmem>>[vector<16xi32>], vector<16xf32>,
        %mul3A_174 = arith.mulf %gather3A_172, %gather3A_173 : vector<16xf32>
        %gt3A_175 = arith.cmpf ogt, %mul3A_174, %max3A_167 : vector<16xf32>
        %gt3A_176 = arith.cmpf ogt, %mul3A_174, %max3A_164 : vector<16xf32>
        %min3A_177 = arith.minimumf %max3A_164, %mul3A_174 : vector<16xf32>
        %max3A_178 = arith.maximumf %max3A, %min3A_177 : vector<16xf32>
        %min3A_179 = arith.minimumf %max3A_167, %mul3A_174 : vector<16xf32>
        %max3A_180 = arith.maximumf %max3A_164, %min3A_179 : vector<16xf32>
        %select_n3A_181 = arith.select %gt3A_176, %add3A_171, %select_n3A_166 : vector<16xi1>, vector<16xi32>
        %select_n3A_182 = arith.select %gt3A_175, %select_n3A_168, %select_n3A_181 : vector<16xi1>, vector<16xi32>
        %max3A_183 = arith.maximumf %max3A_167, %mul3A_174 : vector<16xf32>
        %select_n3A_184 = arith.select %gt3A_175, %add3A_171, %select_n3A_168 : vector<16xi1>, vector<16xi32>
        %add3A_185 = arith.constant 2 : i32
        %add3A_186 = vector.broadcast %add3A_185 : i32 to vector<16xi32>
        %add3A_187 = arith.addi %scan3A_156, %add3A_186 : vector<16xi32>
        %gather3A_188 = tpu.vector_load_idx %arg8[%add3A_122, %add3A_187] : memref<256x64xf32, #tpu.memory_space<vmem>>[vector<16xi32>, vector<16xi32>], vector<16xf32>,
        %gather3A_189 = tpu.vector_load_idx %arg11[%add3A_187] : memref<64xf32, #tpu.memory_space<vmem>>[vector<16xi32>], vector<16xf32>,
        %mul3A_190 = arith.mulf %gather3A_188, %gather3A_189 : vector<16xf32>
        %gt3A_191 = arith.cmpf ogt, %mul3A_190, %max3A_183 : vector<16xf32>
        %gt3A_192 = arith.cmpf ogt, %mul3A_190, %max3A_180 : vector<16xf32>
        %min3A_193 = arith.minimumf %max3A_180, %mul3A_190 : vector<16xf32>
        %max3A_194 = arith.maximumf %max3A_178, %min3A_193 : vector<16xf32>
        %min3A_195 = arith.minimumf %max3A_183, %mul3A_190 : vector<16xf32>
        %max3A_196 = arith.maximumf %max3A_180, %min3A_195 : vector<16xf32>
        %select_n3A_197 = arith.select %gt3A_192, %add3A_187, %select_n3A_182 : vector<16xi1>, vector<16xi32>
        %select_n3A_198 = arith.select %gt3A_191, %select_n3A_184, %select_n3A_197 : vector<16xi1>, vector<16xi32>
        %max3A_199 = arith.maximumf %max3A_183, %mul3A_190 : vector<16xf32>
        %select_n3A_200 = arith.select %gt3A_191, %add3A_187, %select_n3A_184 : vector<16xi1>, vector<16xi32>
        %add3A_201 = arith.constant 3 : i32
        %add3A_202 = vector.broadcast %add3A_201 : i32 to vector<16xi32>
        %add3A_203 = arith.addi %scan3A_156, %add3A_202 : vector<16xi32>
        %gather3A_204 = tpu.vector_load_idx %arg8[%add3A_122, %add3A_203] : memref<256x64xf32, #tpu.memory_space<vmem>>[vector<16xi32>, vector<16xi32>], vector<16xf32>,
        %gather3A_205 = tpu.vector_load_idx %arg11[%add3A_203] : memref<64xf32, #tpu.memory_space<vmem>>[vector<16xi32>], vector<16xf32>,
        %mul3A_206 = arith.mulf %gather3A_204, %gather3A_205 : vector<16xf32>
        %gt3A_207 = arith.cmpf ogt, %mul3A_206, %max3A_199 : vector<16xf32>
        %gt3A_208 = arith.cmpf ogt, %mul3A_206, %max3A_196 : vector<16xf32>
        %min3A_209 = arith.minimumf %max3A_196, %mul3A_206 : vector<16xf32>
        %max3A_210 = arith.maximumf %max3A_194, %min3A_209 : vector<16xf32>
        %min3A_211 = arith.minimumf %max3A_199, %mul3A_206 : vector<16xf32>
        %max3A_212 = arith.maximumf %max3A_196, %min3A_211 : vector<16xf32>
        %select_n3A_213 = arith.select %gt3A_208, %add3A_203, %select_n3A_198 : vector<16xi1>, vector<16xi32>
        %select_n3A_214 = arith.select %gt3A_207, %select_n3A_200, %select_n3A_213 : vector<16xi1>, vector<16xi32>
        %max3A_215 = arith.maximumf %max3A_199, %mul3A_206 : vector<16xf32>
        %select_n3A_216 = arith.select %gt3A_207, %add3A_203, %select_n3A_200 : vector<16xi1>, vector<16xi32>
        %add3A_217 = arith.constant 4 : i32
        %add3A_218 = vector.broadcast %add3A_217 : i32 to vector<16xi32>
        %add3A_219 = arith.addi %scan3A_156, %add3A_218 : vector<16xi32>
        %gather3A_220 = tpu.vector_load_idx %arg8[%add3A_122, %add3A_219] : memref<256x64xf32, #tpu.memory_space<vmem>>[vector<16xi32>, vector<16xi32>], vector<16xf32>,
        %gather3A_221 = tpu.vector_load_idx %arg11[%add3A_219] : memref<64xf32, #tpu.memory_space<vmem>>[vector<16xi32>], vector<16xf32>,
        %mul3A_222 = arith.mulf %gather3A_220, %gather3A_221 : vector<16xf32>
        %gt3A_223 = arith.cmpf ogt, %mul3A_222, %max3A_215 : vector<16xf32>
        %gt3A_224 = arith.cmpf ogt, %mul3A_222, %max3A_212 : vector<16xf32>
        %min3A_225 = arith.minimumf %max3A_212, %mul3A_222 : vector<16xf32>
        %max3A_226 = arith.maximumf %max3A_210, %min3A_225 : vector<16xf32>
        %min3A_227 = arith.minimumf %max3A_215, %mul3A_222 : vector<16xf32>
        %max3A_228 = arith.maximumf %max3A_212, %min3A_227 : vector<16xf32>
        %select_n3A_229 = arith.select %gt3A_224, %add3A_219, %select_n3A_214 : vector<16xi1>, vector<16xi32>
        %select_n3A_230 = arith.select %gt3A_223, %select_n3A_216, %select_n3A_229 : vector<16xi1>, vector<16xi32>
        %max3A_231 = arith.maximumf %max3A_215, %mul3A_222 : vector<16xf32>
        %select_n3A_232 = arith.select %gt3A_223, %add3A_219, %select_n3A_216 : vector<16xi1>, vector<16xi32>
        %add3A_233 = arith.constant 5 : i32
        %add3A_234 = vector.broadcast %add3A_233 : i32 to vector<16xi32>
        %add3A_235 = arith.addi %scan3A_156, %add3A_234 : vector<16xi32>
        %gather3A_236 = tpu.vector_load_idx %arg8[%add3A_122, %add3A_235] : memref<256x64xf32, #tpu.memory_space<vmem>>[vector<16xi32>, vector<16xi32>], vector<16xf32>,
        %gather3A_237 = tpu.vector_load_idx %arg11[%add3A_235] : memref<64xf32, #tpu.memory_space<vmem>>[vector<16xi32>], vector<16xf32>,
        %mul3A_238 = arith.mulf %gather3A_236, %gather3A_237 : vector<16xf32>
        %gt3A_239 = arith.cmpf ogt, %mul3A_238, %max3A_231 : vector<16xf32>
        %gt3A_240 = arith.cmpf ogt, %mul3A_238, %max3A_228 : vector<16xf32>
        %min3A_241 = arith.minimumf %max3A_228, %mul3A_238 : vector<16xf32>
        %max3A_242 = arith.maximumf %max3A_226, %min3A_241 : vector<16xf32>
        %min3A_243 = arith.minimumf %max3A_231, %mul3A_238 : vector<16xf32>
        %max3A_244 = arith.maximumf %max3A_228, %min3A_243 : vector<16xf32>
        %select_n3A_245 = arith.select %gt3A_240, %add3A_235, %select_n3A_230 : vector<16xi1>, vector<16xi32>
        %select_n3A_246 = arith.select %gt3A_239, %select_n3A_232, %select_n3A_245 : vector<16xi1>, vector<16xi32>
        %max3A_247 = arith.maximumf %max3A_231, %mul3A_238 : vector<16xf32>
        %select_n3A_248 = arith.select %gt3A_239, %add3A_235, %select_n3A_232 : vector<16xi1>, vector<16xi32>
        %add3A_249 = arith.constant 6 : i32
        %add3A_250 = vector.broadcast %add3A_249 : i32 to vector<16xi32>
        %add3A_251 = arith.addi %scan3A_156, %add3A_250 : vector<16xi32>
        %gather3A_252 = tpu.vector_load_idx %arg8[%add3A_122, %add3A_251] : memref<256x64xf32, #tpu.memory_space<vmem>>[vector<16xi32>, vector<16xi32>], vector<16xf32>,
        %gather3A_253 = tpu.vector_load_idx %arg11[%add3A_251] : memref<64xf32, #tpu.memory_space<vmem>>[vector<16xi32>], vector<16xf32>,
        %mul3A_254 = arith.mulf %gather3A_252, %gather3A_253 : vector<16xf32>
        %gt3A_255 = arith.cmpf ogt, %mul3A_254, %max3A_247 : vector<16xf32>
        %gt3A_256 = arith.cmpf ogt, %mul3A_254, %max3A_244 : vector<16xf32>
        %min3A_257 = arith.minimumf %max3A_244, %mul3A_254 : vector<16xf32>
        %max3A_258 = arith.maximumf %max3A_242, %min3A_257 : vector<16xf32>
        %min3A_259 = arith.minimumf %max3A_247, %mul3A_254 : vector<16xf32>
        %max3A_260 = arith.maximumf %max3A_244, %min3A_259 : vector<16xf32>
        %select_n3A_261 = arith.select %gt3A_256, %add3A_251, %select_n3A_246 : vector<16xi1>, vector<16xi32>
        %select_n3A_262 = arith.select %gt3A_255, %select_n3A_248, %select_n3A_261 : vector<16xi1>, vector<16xi32>
        %max3A_263 = arith.maximumf %max3A_247, %mul3A_254 : vector<16xf32>
        %select_n3A_264 = arith.select %gt3A_255, %add3A_251, %select_n3A_248 : vector<16xi1>, vector<16xi32>
        %add3A_265 = arith.constant 7 : i32
        %add3A_266 = vector.broadcast %add3A_265 : i32 to vector<16xi32>
        %add3A_267 = arith.addi %scan3A_156, %add3A_266 : vector<16xi32>
        %gather3A_268 = tpu.vector_load_idx %arg8[%add3A_122, %add3A_267] : memref<256x64xf32, #tpu.memory_space<vmem>>[vector<16xi32>, vector<16xi32>], vector<16xf32>,
        %gather3A_269 = tpu.vector_load_idx %arg11[%add3A_267] : memref<64xf32, #tpu.memory_space<vmem>>[vector<16xi32>], vector<16xf32>,
        %mul3A_270 = arith.mulf %gather3A_268, %gather3A_269 : vector<16xf32>
        %gt3A_271 = arith.cmpf ogt, %mul3A_270, %max3A_263 : vector<16xf32>
        %gt3A_272 = arith.cmpf ogt, %mul3A_270, %max3A_260 : vector<16xf32>
        %min3A_273 = arith.minimumf %max3A_260, %mul3A_270 : vector<16xf32>
        %max3A_274 = arith.maximumf %max3A_258, %min3A_273 : vector<16xf32>
        %min3A_275 = arith.minimumf %max3A_263, %mul3A_270 : vector<16xf32>
        %max3A_276 = arith.maximumf %max3A_260, %min3A_275 : vector<16xf32>
        %select_n3A_277 = arith.select %gt3A_272, %add3A_267, %select_n3A_262 : vector<16xi1>, vector<16xi32>
        %select_n3A_278 = arith.select %gt3A_271, %select_n3A_264, %select_n3A_277 : vector<16xi1>, vector<16xi32>
        %max3A_279 = arith.maximumf %max3A_263, %mul3A_270 : vector<16xf32>
        %select_n3A_280 = arith.select %gt3A_271, %add3A_267, %select_n3A_264 : vector<16xi1>, vector<16xi32>
        %add3A_281 = arith.constant 8 : i32
        %add3A_282 = vector.broadcast %add3A_281 : i32 to vector<16xi32>
        %add3A_283 = arith.addi %scan3A_156, %add3A_282 : vector<16xi32>
        scf.yield %max3A_279, %max3A_276, %max3A_274, %select_n3A_280, %select_n3A_278, %add3A_283 : vector<16xf32>, vector<16xf32>, vector<16xf32>, vector<16xi32>, vector<16xi32>, vector<16xi32>
      }
      %scan3A_128 = arith.constant 8 : i32
      %sub3A_129 = arith.subf %scan3A_127#1, %scan3A_127#0 : vector<16xf32>
      %exp3A = math.exp %sub3A_129 : vector<16xf32>
      %add3A_130 = arith.constant 1.000000e+00 : f32
      %add3A_131 = vector.broadcast %add3A_130 : f32 to vector<16xf32>
      %add3A_132 = arith.addf %add3A_131, %exp3A : vector<16xf32>
      %div3A_133 = arith.constant 1.000000e+00 : f32
      %div3A_134 = vector.broadcast %div3A_133 : f32 to vector<16xf32>
      %div3A_135 = arith.divf %div3A_134, %add3A_132 : vector<16xf32>
      %mul3A_136 = arith.constant 16 : i32
      %mul3A_137 = arith.muli %scan3A_118, %mul3A_136 : i32
      %add3A_138 = arith.constant 256 : i32
      %add3A_139 = arith.addi %add3A_138, %mul3A_137 : i32
      %swap3A = arith.index_cast %add3A_139 : i32 to index
      %swap3A_140 = tpu.vector_load %arg12[%swap3A] {strides = array<i32>} : memref<1024xi32, #tpu.memory_space<vmem>>, vector<16xi32>,
      tpu.vector_store %arg12[%swap3A], %scan3A_127#3 {strides = array<i32>} : memref<1024xi32, #tpu.memory_space<vmem>>, vector<16xi32>,
      %swap3A_141 = arith.index_cast %add3A_139 : i32 to index
      %swap3A_142 = tpu.vector_load %arg13[%swap3A_141] {strides = array<i32>} : memref<1024xi32, #tpu.memory_space<vmem>>, vector<16xi32>,
      tpu.vector_store %arg13[%swap3A_141], %scan3A_127#4 {strides = array<i32>} : memref<1024xi32, #tpu.memory_space<vmem>>, vector<16xi32>,
      %swap3A_143 = arith.index_cast %add3A_139 : i32 to index
      %swap3A_144 = tpu.vector_load %arg14[%swap3A_143] {strides = array<i32>} : memref<1024xf32, #tpu.memory_space<vmem>>, vector<16xf32>,
      tpu.vector_store %arg14[%swap3A_143], %div3A_135 {strides = array<i32>} : memref<1024xf32, #tpu.memory_space<vmem>>, vector<16xf32>,
      %mul3A_145 = arith.mulf %exp3A, %div3A_135 : vector<16xf32>
      %swap3A_146 = arith.index_cast %add3A_139 : i32 to index
      %swap3A_147 = tpu.vector_load %arg15[%swap3A_146] {strides = array<i32>} : memref<1024xf32, #tpu.memory_space<vmem>>, vector<16xf32>,
      tpu.vector_store %arg15[%swap3A_146], %mul3A_145 {strides = array<i32>} : memref<1024xf32, #tpu.memory_space<vmem>>, vector<16xf32>,
      %swap3A_148 = arith.index_cast %add3A_139 : i32 to index
      %swap3A_149 = tpu.vector_load %arg16[%swap3A_148] {strides = array<i32>} : memref<1024xf32, #tpu.memory_space<vmem>>, vector<16xf32>,
      tpu.vector_store %arg16[%swap3A_148], %scan3A_127#2 {strides = array<i32>} : memref<1024xf32, #tpu.memory_space<vmem>>, vector<16xf32>,
    }
    %scan3A_80 = arith.constant 16 : i32
    %add3A_81 = arith.constant 768 : i32
    %add3A_82 = arith.addi %mul3A_32, %add3A_81 : i32
    %dma_start3A_83 = arith.constant 0 : i32
    %dma_start3A_84 = tpu.memref_slice %arg2[%select_n3A, %add3A_82, %dma_start3A_83] : memref<4x8192x64xf32, #tpu.memory_space<hbm>> -> memref<1x256x64xf32, #tpu.memory_space<hbm>>
    %dma_start3A_85 = tpu.memref_squeeze %dma_start3A_84 : memref<1x256x64xf32, #tpu.memory_space<hbm>> -> memref<256x64xf32, #tpu.memory_space<hbm>>
    %dma_start3A_86 = arith.constant 0 : i32
    %dma_start3A_87 = tpu.memref_slice %arg2[%select_n3A, %add3A_82, %dma_start3A_86] : memref<4x8192x64xf32, #tpu.memory_space<hbm>> -> memref<1x256x64xf32, #tpu.memory_space<hbm>>
    %dma_start3A_88 = tpu.memref_squeeze %dma_start3A_87 : memref<1x256x64xf32, #tpu.memory_space<hbm>> -> memref<256x64xf32, #tpu.memory_space<hbm>>
    tpu.enqueue_dma source(%dma_start3A_88 : memref<256x64xf32, #tpu.memory_space<hbm>>) target(%arg8 : memref<256x64xf32, #tpu.memory_space<vmem>>) target_semaphore(%arg10 : memref<!tpu.dma_semaphore, #tpu.memory_space<semaphore_mem>>)
    %dma_wait3A_89 = arith.constant 0 : i32
    %dma_wait3A_90 = tpu.memref_slice %arg2[%select_n3A, %add3A_62, %dma_wait3A_89] : memref<4x8192x64xf32, #tpu.memory_space<hbm>> -> memref<1x256x64xf32, #tpu.memory_space<hbm>>
    %dma_wait3A_91 = tpu.memref_squeeze %dma_wait3A_90 : memref<1x256x64xf32, #tpu.memory_space<hbm>> -> memref<256x64xf32, #tpu.memory_space<hbm>>
    %dma_wait3A_92 = arith.constant 0 : i32
    %dma_wait3A_93 = tpu.memref_slice %arg2[%select_n3A, %add3A_62, %dma_wait3A_92] : memref<4x8192x64xf32, #tpu.memory_space<hbm>> -> memref<1x256x64xf32, #tpu.memory_space<hbm>>
    %dma_wait3A_94 = tpu.memref_squeeze %dma_wait3A_93 : memref<1x256x64xf32, #tpu.memory_space<hbm>> -> memref<256x64xf32, #tpu.memory_space<hbm>>
    tpu.wait_dma2 semaphore(%arg9 : memref<!tpu.dma_semaphore, #tpu.memory_space<semaphore_mem>>) src(%dma_wait3A_94 : memref<256x64xf32, #tpu.memory_space<hbm>>) dst(%arg7 : memref<256x64xf32, #tpu.memory_space<vmem>>)
    %scan3A_95 = arith.constant 0 : i32
    %scan3A_96 = arith.constant 0 : i32
    %scan3A_97 = arith.constant 16 : i32
    %scan3A_98 = arith.addi %scan3A_96, %scan3A_97 : i32
    %scan3A_99 = arith.constant 1 : i32
    scf.for %scan3A_118 = %scan3A_96 to %scan3A_98 step %scan3A_99  : i32 {
      %mul3A_119 = arith.constant 16 : i32
      %mul3A_120 = arith.muli %scan3A_118, %mul3A_119 : i32
      %add3A_121 = vector.broadcast %mul3A_120 : i32 to vector<16xi32>
      %add3A_122 = arith.addi %iota3A, %add3A_121 : vector<16xi32>
      %scan3A_123 = arith.constant 0 : i32
      %scan3A_124 = arith.constant 8 : i32
      %scan3A_125 = arith.addi %scan3A_123, %scan3A_124 : i32
      %scan3A_126 = arith.constant 1 : i32
      %scan3A_127:6 = scf.for %scan3A_150 = %scan3A_123 to %scan3A_125 step %scan3A_126 iter_args(%scan3A_151 = %broadcast_in_dim3A_35, %scan3A_152 = %broadcast_in_dim3A_35, %scan3A_153 = %broadcast_in_dim3A_35, %scan3A_154 = %broadcast_in_dim3A_33, %scan3A_155 = %broadcast_in_dim3A_33, %scan3A_156 = %broadcast_in_dim3A_33) -> (vector<16xf32>, vector<16xf32>, vector<16xf32>, vector<16xi32>, vector<16xi32>, vector<16xi32>)  : i32 {
        %add3A_157 = arith.constant 0 : i32
        %add3A_158 = vector.broadcast %add3A_157 : i32 to vector<16xi32>
        %add3A_159 = arith.addi %scan3A_156, %add3A_158 : vector<16xi32>
        %gather3A = tpu.vector_load_idx %arg7[%add3A_122, %add3A_159] : memref<256x64xf32, #tpu.memory_space<vmem>>[vector<16xi32>, vector<16xi32>], vector<16xf32>,
        %gather3A_160 = tpu.vector_load_idx %arg11[%add3A_159] : memref<64xf32, #tpu.memory_space<vmem>>[vector<16xi32>], vector<16xf32>,
        %mul3A_161 = arith.mulf %gather3A, %gather3A_160 : vector<16xf32>
        %gt3A = arith.cmpf ogt, %mul3A_161, %scan3A_151 : vector<16xf32>
        %gt3A_162 = arith.cmpf ogt, %mul3A_161, %scan3A_152 : vector<16xf32>
        %min3A = arith.minimumf %scan3A_152, %mul3A_161 : vector<16xf32>
        %max3A = arith.maximumf %scan3A_153, %min3A : vector<16xf32>
        %min3A_163 = arith.minimumf %scan3A_151, %mul3A_161 : vector<16xf32>
        %max3A_164 = arith.maximumf %scan3A_152, %min3A_163 : vector<16xf32>
        %select_n3A_165 = arith.select %gt3A_162, %add3A_159, %scan3A_155 : vector<16xi1>, vector<16xi32>
        %select_n3A_166 = arith.select %gt3A, %scan3A_154, %select_n3A_165 : vector<16xi1>, vector<16xi32>
        %max3A_167 = arith.maximumf %scan3A_151, %mul3A_161 : vector<16xf32>
        %select_n3A_168 = arith.select %gt3A, %add3A_159, %scan3A_154 : vector<16xi1>, vector<16xi32>
        %add3A_169 = arith.constant 1 : i32
        %add3A_170 = vector.broadcast %add3A_169 : i32 to vector<16xi32>
        %add3A_171 = arith.addi %scan3A_156, %add3A_170 : vector<16xi32>
        %gather3A_172 = tpu.vector_load_idx %arg7[%add3A_122, %add3A_171] : memref<256x64xf32, #tpu.memory_space<vmem>>[vector<16xi32>, vector<16xi32>], vector<16xf32>,
        %gather3A_173 = tpu.vector_load_idx %arg11[%add3A_171] : memref<64xf32, #tpu.memory_space<vmem>>[vector<16xi32>], vector<16xf32>,
        %mul3A_174 = arith.mulf %gather3A_172, %gather3A_173 : vector<16xf32>
        %gt3A_175 = arith.cmpf ogt, %mul3A_174, %max3A_167 : vector<16xf32>
        %gt3A_176 = arith.cmpf ogt, %mul3A_174, %max3A_164 : vector<16xf32>
        %min3A_177 = arith.minimumf %max3A_164, %mul3A_174 : vector<16xf32>
        %max3A_178 = arith.maximumf %max3A, %min3A_177 : vector<16xf32>
        %min3A_179 = arith.minimumf %max3A_167, %mul3A_174 : vector<16xf32>
        %max3A_180 = arith.maximumf %max3A_164, %min3A_179 : vector<16xf32>
        %select_n3A_181 = arith.select %gt3A_176, %add3A_171, %select_n3A_166 : vector<16xi1>, vector<16xi32>
        %select_n3A_182 = arith.select %gt3A_175, %select_n3A_168, %select_n3A_181 : vector<16xi1>, vector<16xi32>
        %max3A_183 = arith.maximumf %max3A_167, %mul3A_174 : vector<16xf32>
        %select_n3A_184 = arith.select %gt3A_175, %add3A_171, %select_n3A_168 : vector<16xi1>, vector<16xi32>
        %add3A_185 = arith.constant 2 : i32
        %add3A_186 = vector.broadcast %add3A_185 : i32 to vector<16xi32>
        %add3A_187 = arith.addi %scan3A_156, %add3A_186 : vector<16xi32>
        %gather3A_188 = tpu.vector_load_idx %arg7[%add3A_122, %add3A_187] : memref<256x64xf32, #tpu.memory_space<vmem>>[vector<16xi32>, vector<16xi32>], vector<16xf32>,
        %gather3A_189 = tpu.vector_load_idx %arg11[%add3A_187] : memref<64xf32, #tpu.memory_space<vmem>>[vector<16xi32>], vector<16xf32>,
        %mul3A_190 = arith.mulf %gather3A_188, %gather3A_189 : vector<16xf32>
        %gt3A_191 = arith.cmpf ogt, %mul3A_190, %max3A_183 : vector<16xf32>
        %gt3A_192 = arith.cmpf ogt, %mul3A_190, %max3A_180 : vector<16xf32>
        %min3A_193 = arith.minimumf %max3A_180, %mul3A_190 : vector<16xf32>
        %max3A_194 = arith.maximumf %max3A_178, %min3A_193 : vector<16xf32>
        %min3A_195 = arith.minimumf %max3A_183, %mul3A_190 : vector<16xf32>
        %max3A_196 = arith.maximumf %max3A_180, %min3A_195 : vector<16xf32>
        %select_n3A_197 = arith.select %gt3A_192, %add3A_187, %select_n3A_182 : vector<16xi1>, vector<16xi32>
        %select_n3A_198 = arith.select %gt3A_191, %select_n3A_184, %select_n3A_197 : vector<16xi1>, vector<16xi32>
        %max3A_199 = arith.maximumf %max3A_183, %mul3A_190 : vector<16xf32>
        %select_n3A_200 = arith.select %gt3A_191, %add3A_187, %select_n3A_184 : vector<16xi1>, vector<16xi32>
        %add3A_201 = arith.constant 3 : i32
        %add3A_202 = vector.broadcast %add3A_201 : i32 to vector<16xi32>
        %add3A_203 = arith.addi %scan3A_156, %add3A_202 : vector<16xi32>
        %gather3A_204 = tpu.vector_load_idx %arg7[%add3A_122, %add3A_203] : memref<256x64xf32, #tpu.memory_space<vmem>>[vector<16xi32>, vector<16xi32>], vector<16xf32>,
        %gather3A_205 = tpu.vector_load_idx %arg11[%add3A_203] : memref<64xf32, #tpu.memory_space<vmem>>[vector<16xi32>], vector<16xf32>,
        %mul3A_206 = arith.mulf %gather3A_204, %gather3A_205 : vector<16xf32>
        %gt3A_207 = arith.cmpf ogt, %mul3A_206, %max3A_199 : vector<16xf32>
        %gt3A_208 = arith.cmpf ogt, %mul3A_206, %max3A_196 : vector<16xf32>
        %min3A_209 = arith.minimumf %max3A_196, %mul3A_206 : vector<16xf32>
        %max3A_210 = arith.maximumf %max3A_194, %min3A_209 : vector<16xf32>
        %min3A_211 = arith.minimumf %max3A_199, %mul3A_206 : vector<16xf32>
        %max3A_212 = arith.maximumf %max3A_196, %min3A_211 : vector<16xf32>
        %select_n3A_213 = arith.select %gt3A_208, %add3A_203, %select_n3A_198 : vector<16xi1>, vector<16xi32>
        %select_n3A_214 = arith.select %gt3A_207, %select_n3A_200, %select_n3A_213 : vector<16xi1>, vector<16xi32>
        %max3A_215 = arith.maximumf %max3A_199, %mul3A_206 : vector<16xf32>
        %select_n3A_216 = arith.select %gt3A_207, %add3A_203, %select_n3A_200 : vector<16xi1>, vector<16xi32>
        %add3A_217 = arith.constant 4 : i32
        %add3A_218 = vector.broadcast %add3A_217 : i32 to vector<16xi32>
        %add3A_219 = arith.addi %scan3A_156, %add3A_218 : vector<16xi32>
        %gather3A_220 = tpu.vector_load_idx %arg7[%add3A_122, %add3A_219] : memref<256x64xf32, #tpu.memory_space<vmem>>[vector<16xi32>, vector<16xi32>], vector<16xf32>,
        %gather3A_221 = tpu.vector_load_idx %arg11[%add3A_219] : memref<64xf32, #tpu.memory_space<vmem>>[vector<16xi32>], vector<16xf32>,
        %mul3A_222 = arith.mulf %gather3A_220, %gather3A_221 : vector<16xf32>
        %gt3A_223 = arith.cmpf ogt, %mul3A_222, %max3A_215 : vector<16xf32>
        %gt3A_224 = arith.cmpf ogt, %mul3A_222, %max3A_212 : vector<16xf32>
        %min3A_225 = arith.minimumf %max3A_212, %mul3A_222 : vector<16xf32>
        %max3A_226 = arith.maximumf %max3A_210, %min3A_225 : vector<16xf32>
        %min3A_227 = arith.minimumf %max3A_215, %mul3A_222 : vector<16xf32>
        %max3A_228 = arith.maximumf %max3A_212, %min3A_227 : vector<16xf32>
        %select_n3A_229 = arith.select %gt3A_224, %add3A_219, %select_n3A_214 : vector<16xi1>, vector<16xi32>
        %select_n3A_230 = arith.select %gt3A_223, %select_n3A_216, %select_n3A_229 : vector<16xi1>, vector<16xi32>
        %max3A_231 = arith.maximumf %max3A_215, %mul3A_222 : vector<16xf32>
        %select_n3A_232 = arith.select %gt3A_223, %add3A_219, %select_n3A_216 : vector<16xi1>, vector<16xi32>
        %add3A_233 = arith.constant 5 : i32
        %add3A_234 = vector.broadcast %add3A_233 : i32 to vector<16xi32>
        %add3A_235 = arith.addi %scan3A_156, %add3A_234 : vector<16xi32>
        %gather3A_236 = tpu.vector_load_idx %arg7[%add3A_122, %add3A_235] : memref<256x64xf32, #tpu.memory_space<vmem>>[vector<16xi32>, vector<16xi32>], vector<16xf32>,
        %gather3A_237 = tpu.vector_load_idx %arg11[%add3A_235] : memref<64xf32, #tpu.memory_space<vmem>>[vector<16xi32>], vector<16xf32>,
        %mul3A_238 = arith.mulf %gather3A_236, %gather3A_237 : vector<16xf32>
        %gt3A_239 = arith.cmpf ogt, %mul3A_238, %max3A_231 : vector<16xf32>
        %gt3A_240 = arith.cmpf ogt, %mul3A_238, %max3A_228 : vector<16xf32>
        %min3A_241 = arith.minimumf %max3A_228, %mul3A_238 : vector<16xf32>
        %max3A_242 = arith.maximumf %max3A_226, %min3A_241 : vector<16xf32>
        %min3A_243 = arith.minimumf %max3A_231, %mul3A_238 : vector<16xf32>
        %max3A_244 = arith.maximumf %max3A_228, %min3A_243 : vector<16xf32>
        %select_n3A_245 = arith.select %gt3A_240, %add3A_235, %select_n3A_230 : vector<16xi1>, vector<16xi32>
        %select_n3A_246 = arith.select %gt3A_239, %select_n3A_232, %select_n3A_245 : vector<16xi1>, vector<16xi32>
        %max3A_247 = arith.maximumf %max3A_231, %mul3A_238 : vector<16xf32>
        %select_n3A_248 = arith.select %gt3A_239, %add3A_235, %select_n3A_232 : vector<16xi1>, vector<16xi32>
        %add3A_249 = arith.constant 6 : i32
        %add3A_250 = vector.broadcast %add3A_249 : i32 to vector<16xi32>
        %add3A_251 = arith.addi %scan3A_156, %add3A_250 : vector<16xi32>
        %gather3A_252 = tpu.vector_load_idx %arg7[%add3A_122, %add3A_251] : memref<256x64xf32, #tpu.memory_space<vmem>>[vector<16xi32>, vector<16xi32>], vector<16xf32>,
        %gather3A_253 = tpu.vector_load_idx %arg11[%add3A_251] : memref<64xf32, #tpu.memory_space<vmem>>[vector<16xi32>], vector<16xf32>,
        %mul3A_254 = arith.mulf %gather3A_252, %gather3A_253 : vector<16xf32>
        %gt3A_255 = arith.cmpf ogt, %mul3A_254, %max3A_247 : vector<16xf32>
        %gt3A_256 = arith.cmpf ogt, %mul3A_254, %max3A_244 : vector<16xf32>
        %min3A_257 = arith.minimumf %max3A_244, %mul3A_254 : vector<16xf32>
        %max3A_258 = arith.maximumf %max3A_242, %min3A_257 : vector<16xf32>
        %min3A_259 = arith.minimumf %max3A_247, %mul3A_254 : vector<16xf32>
        %max3A_260 = arith.maximumf %max3A_244, %min3A_259 : vector<16xf32>
        %select_n3A_261 = arith.select %gt3A_256, %add3A_251, %select_n3A_246 : vector<16xi1>, vector<16xi32>
        %select_n3A_262 = arith.select %gt3A_255, %select_n3A_248, %select_n3A_261 : vector<16xi1>, vector<16xi32>
        %max3A_263 = arith.maximumf %max3A_247, %mul3A_254 : vector<16xf32>
        %select_n3A_264 = arith.select %gt3A_255, %add3A_251, %select_n3A_248 : vector<16xi1>, vector<16xi32>
        %add3A_265 = arith.constant 7 : i32
        %add3A_266 = vector.broadcast %add3A_265 : i32 to vector<16xi32>
        %add3A_267 = arith.addi %scan3A_156, %add3A_266 : vector<16xi32>
        %gather3A_268 = tpu.vector_load_idx %arg7[%add3A_122, %add3A_267] : memref<256x64xf32, #tpu.memory_space<vmem>>[vector<16xi32>, vector<16xi32>], vector<16xf32>,
        %gather3A_269 = tpu.vector_load_idx %arg11[%add3A_267] : memref<64xf32, #tpu.memory_space<vmem>>[vector<16xi32>], vector<16xf32>,
        %mul3A_270 = arith.mulf %gather3A_268, %gather3A_269 : vector<16xf32>
        %gt3A_271 = arith.cmpf ogt, %mul3A_270, %max3A_263 : vector<16xf32>
        %gt3A_272 = arith.cmpf ogt, %mul3A_270, %max3A_260 : vector<16xf32>
        %min3A_273 = arith.minimumf %max3A_260, %mul3A_270 : vector<16xf32>
        %max3A_274 = arith.maximumf %max3A_258, %min3A_273 : vector<16xf32>
        %min3A_275 = arith.minimumf %max3A_263, %mul3A_270 : vector<16xf32>
        %max3A_276 = arith.maximumf %max3A_260, %min3A_275 : vector<16xf32>
        %select_n3A_277 = arith.select %gt3A_272, %add3A_267, %select_n3A_262 : vector<16xi1>, vector<16xi32>
        %select_n3A_278 = arith.select %gt3A_271, %select_n3A_264, %select_n3A_277 : vector<16xi1>, vector<16xi32>
        %max3A_279 = arith.maximumf %max3A_263, %mul3A_270 : vector<16xf32>
        %select_n3A_280 = arith.select %gt3A_271, %add3A_267, %select_n3A_264 : vector<16xi1>, vector<16xi32>
        %add3A_281 = arith.constant 8 : i32
        %add3A_282 = vector.broadcast %add3A_281 : i32 to vector<16xi32>
        %add3A_283 = arith.addi %scan3A_156, %add3A_282 : vector<16xi32>
        scf.yield %max3A_279, %max3A_276, %max3A_274, %select_n3A_280, %select_n3A_278, %add3A_283 : vector<16xf32>, vector<16xf32>, vector<16xf32>, vector<16xi32>, vector<16xi32>, vector<16xi32>
      }
      %scan3A_128 = arith.constant 8 : i32
      %sub3A_129 = arith.subf %scan3A_127#1, %scan3A_127#0 : vector<16xf32>
      %exp3A = math.exp %sub3A_129 : vector<16xf32>
      %add3A_130 = arith.constant 1.000000e+00 : f32
      %add3A_131 = vector.broadcast %add3A_130 : f32 to vector<16xf32>
      %add3A_132 = arith.addf %add3A_131, %exp3A : vector<16xf32>
      %div3A_133 = arith.constant 1.000000e+00 : f32
      %div3A_134 = vector.broadcast %div3A_133 : f32 to vector<16xf32>
      %div3A_135 = arith.divf %div3A_134, %add3A_132 : vector<16xf32>
      %mul3A_136 = arith.constant 16 : i32
      %mul3A_137 = arith.muli %scan3A_118, %mul3A_136 : i32
      %add3A_138 = arith.constant 512 : i32
      %add3A_139 = arith.addi %add3A_138, %mul3A_137 : i32
      %swap3A = arith.index_cast %add3A_139 : i32 to index
      %swap3A_140 = tpu.vector_load %arg12[%swap3A] {strides = array<i32>} : memref<1024xi32, #tpu.memory_space<vmem>>, vector<16xi32>,
      tpu.vector_store %arg12[%swap3A], %scan3A_127#3 {strides = array<i32>} : memref<1024xi32, #tpu.memory_space<vmem>>, vector<16xi32>,
      %swap3A_141 = arith.index_cast %add3A_139 : i32 to index
      %swap3A_142 = tpu.vector_load %arg13[%swap3A_141] {strides = array<i32>} : memref<1024xi32, #tpu.memory_space<vmem>>, vector<16xi32>,
      tpu.vector_store %arg13[%swap3A_141], %scan3A_127#4 {strides = array<i32>} : memref<1024xi32, #tpu.memory_space<vmem>>, vector<16xi32>,
      %swap3A_143 = arith.index_cast %add3A_139 : i32 to index
      %swap3A_144 = tpu.vector_load %arg14[%swap3A_143] {strides = array<i32>} : memref<1024xf32, #tpu.memory_space<vmem>>, vector<16xf32>,
      tpu.vector_store %arg14[%swap3A_143], %div3A_135 {strides = array<i32>} : memref<1024xf32, #tpu.memory_space<vmem>>, vector<16xf32>,
      %mul3A_145 = arith.mulf %exp3A, %div3A_135 : vector<16xf32>
      %swap3A_146 = arith.index_cast %add3A_139 : i32 to index
      %swap3A_147 = tpu.vector_load %arg15[%swap3A_146] {strides = array<i32>} : memref<1024xf32, #tpu.memory_space<vmem>>, vector<16xf32>,
      tpu.vector_store %arg15[%swap3A_146], %mul3A_145 {strides = array<i32>} : memref<1024xf32, #tpu.memory_space<vmem>>, vector<16xf32>,
      %swap3A_148 = arith.index_cast %add3A_139 : i32 to index
      %swap3A_149 = tpu.vector_load %arg16[%swap3A_148] {strides = array<i32>} : memref<1024xf32, #tpu.memory_space<vmem>>, vector<16xf32>,
      tpu.vector_store %arg16[%swap3A_148], %scan3A_127#2 {strides = array<i32>} : memref<1024xf32, #tpu.memory_space<vmem>>, vector<16xf32>,
    }
    %scan3A_100 = arith.constant 16 : i32
    %dma_wait3A_101 = arith.constant 0 : i32
    %dma_wait3A_102 = tpu.memref_slice %arg2[%select_n3A, %add3A_82, %dma_wait3A_101] : memref<4x8192x64xf32, #tpu.memory_space<hbm>> -> memref<1x256x64xf32, #tpu.memory_space<hbm>>
    %dma_wait3A_103 = tpu.memref_squeeze %dma_wait3A_102 : memref<1x256x64xf32, #tpu.memory_space<hbm>> -> memref<256x64xf32, #tpu.memory_space<hbm>>
    %dma_wait3A_104 = arith.constant 0 : i32
    %dma_wait3A_105 = tpu.memref_slice %arg2[%select_n3A, %add3A_82, %dma_wait3A_104] : memref<4x8192x64xf32, #tpu.memory_space<hbm>> -> memref<1x256x64xf32, #tpu.memory_space<hbm>>
    %dma_wait3A_106 = tpu.memref_squeeze %dma_wait3A_105 : memref<1x256x64xf32, #tpu.memory_space<hbm>> -> memref<256x64xf32, #tpu.memory_space<hbm>>
    tpu.wait_dma2 semaphore(%arg10 : memref<!tpu.dma_semaphore, #tpu.memory_space<semaphore_mem>>) src(%dma_wait3A_106 : memref<256x64xf32, #tpu.memory_space<hbm>>) dst(%arg8 : memref<256x64xf32, #tpu.memory_space<vmem>>)
    %scan3A_107 = arith.constant 0 : i32
    %scan3A_108 = arith.constant 0 : i32
    %scan3A_109 = arith.constant 16 : i32
    %scan3A_110 = arith.addi %scan3A_108, %scan3A_109 : i32
    %scan3A_111 = arith.constant 1 : i32
    scf.for %scan3A_118 = %scan3A_108 to %scan3A_110 step %scan3A_111  : i32 {
      %mul3A_119 = arith.constant 16 : i32
      %mul3A_120 = arith.muli %scan3A_118, %mul3A_119 : i32
      %add3A_121 = vector.broadcast %mul3A_120 : i32 to vector<16xi32>
      %add3A_122 = arith.addi %iota3A, %add3A_121 : vector<16xi32>
      %scan3A_123 = arith.constant 0 : i32
      %scan3A_124 = arith.constant 8 : i32
      %scan3A_125 = arith.addi %scan3A_123, %scan3A_124 : i32
      %scan3A_126 = arith.constant 1 : i32
      %scan3A_127:6 = scf.for %scan3A_150 = %scan3A_123 to %scan3A_125 step %scan3A_126 iter_args(%scan3A_151 = %broadcast_in_dim3A_35, %scan3A_152 = %broadcast_in_dim3A_35, %scan3A_153 = %broadcast_in_dim3A_35, %scan3A_154 = %broadcast_in_dim3A_33, %scan3A_155 = %broadcast_in_dim3A_33, %scan3A_156 = %broadcast_in_dim3A_33) -> (vector<16xf32>, vector<16xf32>, vector<16xf32>, vector<16xi32>, vector<16xi32>, vector<16xi32>)  : i32 {
        %add3A_157 = arith.constant 0 : i32
        %add3A_158 = vector.broadcast %add3A_157 : i32 to vector<16xi32>
        %add3A_159 = arith.addi %scan3A_156, %add3A_158 : vector<16xi32>
        %gather3A = tpu.vector_load_idx %arg8[%add3A_122, %add3A_159] : memref<256x64xf32, #tpu.memory_space<vmem>>[vector<16xi32>, vector<16xi32>], vector<16xf32>,
        %gather3A_160 = tpu.vector_load_idx %arg11[%add3A_159] : memref<64xf32, #tpu.memory_space<vmem>>[vector<16xi32>], vector<16xf32>,
        %mul3A_161 = arith.mulf %gather3A, %gather3A_160 : vector<16xf32>
        %gt3A = arith.cmpf ogt, %mul3A_161, %scan3A_151 : vector<16xf32>
        %gt3A_162 = arith.cmpf ogt, %mul3A_161, %scan3A_152 : vector<16xf32>
        %min3A = arith.minimumf %scan3A_152, %mul3A_161 : vector<16xf32>
        %max3A = arith.maximumf %scan3A_153, %min3A : vector<16xf32>
        %min3A_163 = arith.minimumf %scan3A_151, %mul3A_161 : vector<16xf32>
        %max3A_164 = arith.maximumf %scan3A_152, %min3A_163 : vector<16xf32>
        %select_n3A_165 = arith.select %gt3A_162, %add3A_159, %scan3A_155 : vector<16xi1>, vector<16xi32>
        %select_n3A_166 = arith.select %gt3A, %scan3A_154, %select_n3A_165 : vector<16xi1>, vector<16xi32>
        %max3A_167 = arith.maximumf %scan3A_151, %mul3A_161 : vector<16xf32>
        %select_n3A_168 = arith.select %gt3A, %add3A_159, %scan3A_154 : vector<16xi1>, vector<16xi32>
        %add3A_169 = arith.constant 1 : i32
        %add3A_170 = vector.broadcast %add3A_169 : i32 to vector<16xi32>
        %add3A_171 = arith.addi %scan3A_156, %add3A_170 : vector<16xi32>
        %gather3A_172 = tpu.vector_load_idx %arg8[%add3A_122, %add3A_171] : memref<256x64xf32, #tpu.memory_space<vmem>>[vector<16xi32>, vector<16xi32>], vector<16xf32>,
        %gather3A_173 = tpu.vector_load_idx %arg11[%add3A_171] : memref<64xf32, #tpu.memory_space<vmem>>[vector<16xi32>], vector<16xf32>,
        %mul3A_174 = arith.mulf %gather3A_172, %gather3A_173 : vector<16xf32>
        %gt3A_175 = arith.cmpf ogt, %mul3A_174, %max3A_167 : vector<16xf32>
        %gt3A_176 = arith.cmpf ogt, %mul3A_174, %max3A_164 : vector<16xf32>
        %min3A_177 = arith.minimumf %max3A_164, %mul3A_174 : vector<16xf32>
        %max3A_178 = arith.maximumf %max3A, %min3A_177 : vector<16xf32>
        %min3A_179 = arith.minimumf %max3A_167, %mul3A_174 : vector<16xf32>
        %max3A_180 = arith.maximumf %max3A_164, %min3A_179 : vector<16xf32>
        %select_n3A_181 = arith.select %gt3A_176, %add3A_171, %select_n3A_166 : vector<16xi1>, vector<16xi32>
        %select_n3A_182 = arith.select %gt3A_175, %select_n3A_168, %select_n3A_181 : vector<16xi1>, vector<16xi32>
        %max3A_183 = arith.maximumf %max3A_167, %mul3A_174 : vector<16xf32>
        %select_n3A_184 = arith.select %gt3A_175, %add3A_171, %select_n3A_168 : vector<16xi1>, vector<16xi32>
        %add3A_185 = arith.constant 2 : i32
        %add3A_186 = vector.broadcast %add3A_185 : i32 to vector<16xi32>
        %add3A_187 = arith.addi %scan3A_156, %add3A_186 : vector<16xi32>
        %gather3A_188 = tpu.vector_load_idx %arg8[%add3A_122, %add3A_187] : memref<256x64xf32, #tpu.memory_space<vmem>>[vector<16xi32>, vector<16xi32>], vector<16xf32>,
        %gather3A_189 = tpu.vector_load_idx %arg11[%add3A_187] : memref<64xf32, #tpu.memory_space<vmem>>[vector<16xi32>], vector<16xf32>,
        %mul3A_190 = arith.mulf %gather3A_188, %gather3A_189 : vector<16xf32>
        %gt3A_191 = arith.cmpf ogt, %mul3A_190, %max3A_183 : vector<16xf32>
        %gt3A_192 = arith.cmpf ogt, %mul3A_190, %max3A_180 : vector<16xf32>
        %min3A_193 = arith.minimumf %max3A_180, %mul3A_190 : vector<16xf32>
        %max3A_194 = arith.maximumf %max3A_178, %min3A_193 : vector<16xf32>
        %min3A_195 = arith.minimumf %max3A_183, %mul3A_190 : vector<16xf32>
        %max3A_196 = arith.maximumf %max3A_180, %min3A_195 : vector<16xf32>
        %select_n3A_197 = arith.select %gt3A_192, %add3A_187, %select_n3A_182 : vector<16xi1>, vector<16xi32>
        %select_n3A_198 = arith.select %gt3A_191, %select_n3A_184, %select_n3A_197 : vector<16xi1>, vector<16xi32>
        %max3A_199 = arith.maximumf %max3A_183, %mul3A_190 : vector<16xf32>
        %select_n3A_200 = arith.select %gt3A_191, %add3A_187, %select_n3A_184 : vector<16xi1>, vector<16xi32>
        %add3A_201 = arith.constant 3 : i32
        %add3A_202 = vector.broadcast %add3A_201 : i32 to vector<16xi32>
        %add3A_203 = arith.addi %scan3A_156, %add3A_202 : vector<16xi32>
        %gather3A_204 = tpu.vector_load_idx %arg8[%add3A_122, %add3A_203] : memref<256x64xf32, #tpu.memory_space<vmem>>[vector<16xi32>, vector<16xi32>], vector<16xf32>,
        %gather3A_205 = tpu.vector_load_idx %arg11[%add3A_203] : memref<64xf32, #tpu.memory_space<vmem>>[vector<16xi32>], vector<16xf32>,
        %mul3A_206 = arith.mulf %gather3A_204, %gather3A_205 : vector<16xf32>
        %gt3A_207 = arith.cmpf ogt, %mul3A_206, %max3A_199 : vector<16xf32>
        %gt3A_208 = arith.cmpf ogt, %mul3A_206, %max3A_196 : vector<16xf32>
        %min3A_209 = arith.minimumf %max3A_196, %mul3A_206 : vector<16xf32>
        %max3A_210 = arith.maximumf %max3A_194, %min3A_209 : vector<16xf32>
        %min3A_211 = arith.minimumf %max3A_199, %mul3A_206 : vector<16xf32>
        %max3A_212 = arith.maximumf %max3A_196, %min3A_211 : vector<16xf32>
        %select_n3A_213 = arith.select %gt3A_208, %add3A_203, %select_n3A_198 : vector<16xi1>, vector<16xi32>
        %select_n3A_214 = arith.select %gt3A_207, %select_n3A_200, %select_n3A_213 : vector<16xi1>, vector<16xi32>
        %max3A_215 = arith.maximumf %max3A_199, %mul3A_206 : vector<16xf32>
        %select_n3A_216 = arith.select %gt3A_207, %add3A_203, %select_n3A_200 : vector<16xi1>, vector<16xi32>
        %add3A_217 = arith.constant 4 : i32
        %add3A_218 = vector.broadcast %add3A_217 : i32 to vector<16xi32>
        %add3A_219 = arith.addi %scan3A_156, %add3A_218 : vector<16xi32>
        %gather3A_220 = tpu.vector_load_idx %arg8[%add3A_122, %add3A_219] : memref<256x64xf32, #tpu.memory_space<vmem>>[vector<16xi32>, vector<16xi32>], vector<16xf32>,
        %gather3A_221 = tpu.vector_load_idx %arg11[%add3A_219] : memref<64xf32, #tpu.memory_space<vmem>>[vector<16xi32>], vector<16xf32>,
        %mul3A_222 = arith.mulf %gather3A_220, %gather3A_221 : vector<16xf32>
        %gt3A_223 = arith.cmpf ogt, %mul3A_222, %max3A_215 : vector<16xf32>
        %gt3A_224 = arith.cmpf ogt, %mul3A_222, %max3A_212 : vector<16xf32>
        %min3A_225 = arith.minimumf %max3A_212, %mul3A_222 : vector<16xf32>
        %max3A_226 = arith.maximumf %max3A_210, %min3A_225 : vector<16xf32>
        %min3A_227 = arith.minimumf %max3A_215, %mul3A_222 : vector<16xf32>
        %max3A_228 = arith.maximumf %max3A_212, %min3A_227 : vector<16xf32>
        %select_n3A_229 = arith.select %gt3A_224, %add3A_219, %select_n3A_214 : vector<16xi1>, vector<16xi32>
        %select_n3A_230 = arith.select %gt3A_223, %select_n3A_216, %select_n3A_229 : vector<16xi1>, vector<16xi32>
        %max3A_231 = arith.maximumf %max3A_215, %mul3A_222 : vector<16xf32>
        %select_n3A_232 = arith.select %gt3A_223, %add3A_219, %select_n3A_216 : vector<16xi1>, vector<16xi32>
        %add3A_233 = arith.constant 5 : i32
        %add3A_234 = vector.broadcast %add3A_233 : i32 to vector<16xi32>
        %add3A_235 = arith.addi %scan3A_156, %add3A_234 : vector<16xi32>
        %gather3A_236 = tpu.vector_load_idx %arg8[%add3A_122, %add3A_235] : memref<256x64xf32, #tpu.memory_space<vmem>>[vector<16xi32>, vector<16xi32>], vector<16xf32>,
        %gather3A_237 = tpu.vector_load_idx %arg11[%add3A_235] : memref<64xf32, #tpu.memory_space<vmem>>[vector<16xi32>], vector<16xf32>,
        %mul3A_238 = arith.mulf %gather3A_236, %gather3A_237 : vector<16xf32>
        %gt3A_239 = arith.cmpf ogt, %mul3A_238, %max3A_231 : vector<16xf32>
        %gt3A_240 = arith.cmpf ogt, %mul3A_238, %max3A_228 : vector<16xf32>
        %min3A_241 = arith.minimumf %max3A_228, %mul3A_238 : vector<16xf32>
        %max3A_242 = arith.maximumf %max3A_226, %min3A_241 : vector<16xf32>
        %min3A_243 = arith.minimumf %max3A_231, %mul3A_238 : vector<16xf32>
        %max3A_244 = arith.maximumf %max3A_228, %min3A_243 : vector<16xf32>
        %select_n3A_245 = arith.select %gt3A_240, %add3A_235, %select_n3A_230 : vector<16xi1>, vector<16xi32>
        %select_n3A_246 = arith.select %gt3A_239, %select_n3A_232, %select_n3A_245 : vector<16xi1>, vector<16xi32>
        %max3A_247 = arith.maximumf %max3A_231, %mul3A_238 : vector<16xf32>
        %select_n3A_248 = arith.select %gt3A_239, %add3A_235, %select_n3A_232 : vector<16xi1>, vector<16xi32>
        %add3A_249 = arith.constant 6 : i32
        %add3A_250 = vector.broadcast %add3A_249 : i32 to vector<16xi32>
        %add3A_251 = arith.addi %scan3A_156, %add3A_250 : vector<16xi32>
        %gather3A_252 = tpu.vector_load_idx %arg8[%add3A_122, %add3A_251] : memref<256x64xf32, #tpu.memory_space<vmem>>[vector<16xi32>, vector<16xi32>], vector<16xf32>,
        %gather3A_253 = tpu.vector_load_idx %arg11[%add3A_251] : memref<64xf32, #tpu.memory_space<vmem>>[vector<16xi32>], vector<16xf32>,
        %mul3A_254 = arith.mulf %gather3A_252, %gather3A_253 : vector<16xf32>
        %gt3A_255 = arith.cmpf ogt, %mul3A_254, %max3A_247 : vector<16xf32>
        %gt3A_256 = arith.cmpf ogt, %mul3A_254, %max3A_244 : vector<16xf32>
        %min3A_257 = arith.minimumf %max3A_244, %mul3A_254 : vector<16xf32>
        %max3A_258 = arith.maximumf %max3A_242, %min3A_257 : vector<16xf32>
        %min3A_259 = arith.minimumf %max3A_247, %mul3A_254 : vector<16xf32>
        %max3A_260 = arith.maximumf %max3A_244, %min3A_259 : vector<16xf32>
        %select_n3A_261 = arith.select %gt3A_256, %add3A_251, %select_n3A_246 : vector<16xi1>, vector<16xi32>
        %select_n3A_262 = arith.select %gt3A_255, %select_n3A_248, %select_n3A_261 : vector<16xi1>, vector<16xi32>
        %max3A_263 = arith.maximumf %max3A_247, %mul3A_254 : vector<16xf32>
        %select_n3A_264 = arith.select %gt3A_255, %add3A_251, %select_n3A_248 : vector<16xi1>, vector<16xi32>
        %add3A_265 = arith.constant 7 : i32
        %add3A_266 = vector.broadcast %add3A_265 : i32 to vector<16xi32>
        %add3A_267 = arith.addi %scan3A_156, %add3A_266 : vector<16xi32>
        %gather3A_268 = tpu.vector_load_idx %arg8[%add3A_122, %add3A_267] : memref<256x64xf32, #tpu.memory_space<vmem>>[vector<16xi32>, vector<16xi32>], vector<16xf32>,
        %gather3A_269 = tpu.vector_load_idx %arg11[%add3A_267] : memref<64xf32, #tpu.memory_space<vmem>>[vector<16xi32>], vector<16xf32>,
        %mul3A_270 = arith.mulf %gather3A_268, %gather3A_269 : vector<16xf32>
        %gt3A_271 = arith.cmpf ogt, %mul3A_270, %max3A_263 : vector<16xf32>
        %gt3A_272 = arith.cmpf ogt, %mul3A_270, %max3A_260 : vector<16xf32>
        %min3A_273 = arith.minimumf %max3A_260, %mul3A_270 : vector<16xf32>
        %max3A_274 = arith.maximumf %max3A_258, %min3A_273 : vector<16xf32>
        %min3A_275 = arith.minimumf %max3A_263, %mul3A_270 : vector<16xf32>
        %max3A_276 = arith.maximumf %max3A_260, %min3A_275 : vector<16xf32>
        %select_n3A_277 = arith.select %gt3A_272, %add3A_267, %select_n3A_262 : vector<16xi1>, vector<16xi32>
        %select_n3A_278 = arith.select %gt3A_271, %select_n3A_264, %select_n3A_277 : vector<16xi1>, vector<16xi32>
        %max3A_279 = arith.maximumf %max3A_263, %mul3A_270 : vector<16xf32>
        %select_n3A_280 = arith.select %gt3A_271, %add3A_267, %select_n3A_264 : vector<16xi1>, vector<16xi32>
        %add3A_281 = arith.constant 8 : i32
        %add3A_282 = vector.broadcast %add3A_281 : i32 to vector<16xi32>
        %add3A_283 = arith.addi %scan3A_156, %add3A_282 : vector<16xi32>
        scf.yield %max3A_279, %max3A_276, %max3A_274, %select_n3A_280, %select_n3A_278, %add3A_283 : vector<16xf32>, vector<16xf32>, vector<16xf32>, vector<16xi32>, vector<16xi32>, vector<16xi32>
      }
      %scan3A_128 = arith.constant 8 : i32
      %sub3A_129 = arith.subf %scan3A_127#1, %scan3A_127#0 : vector<16xf32>
      %exp3A = math.exp %sub3A_129 : vector<16xf32>
      %add3A_130 = arith.constant 1.000000e+00 : f32
      %add3A_131 = vector.broadcast %add3A_130 : f32 to vector<16xf32>
      %add3A_132 = arith.addf %add3A_131, %exp3A : vector<16xf32>
      %div3A_133 = arith.constant 1.000000e+00 : f32
      %div3A_134 = vector.broadcast %div3A_133 : f32 to vector<16xf32>
      %div3A_135 = arith.divf %div3A_134, %add3A_132 : vector<16xf32>
      %mul3A_136 = arith.constant 16 : i32
      %mul3A_137 = arith.muli %scan3A_118, %mul3A_136 : i32
      %add3A_138 = arith.constant 768 : i32
      %add3A_139 = arith.addi %add3A_138, %mul3A_137 : i32
      %swap3A = arith.index_cast %add3A_139 : i32 to index
      %swap3A_140 = tpu.vector_load %arg12[%swap3A] {strides = array<i32>} : memref<1024xi32, #tpu.memory_space<vmem>>, vector<16xi32>,
      tpu.vector_store %arg12[%swap3A], %scan3A_127#3 {strides = array<i32>} : memref<1024xi32, #tpu.memory_space<vmem>>, vector<16xi32>,
      %swap3A_141 = arith.index_cast %add3A_139 : i32 to index
      %swap3A_142 = tpu.vector_load %arg13[%swap3A_141] {strides = array<i32>} : memref<1024xi32, #tpu.memory_space<vmem>>, vector<16xi32>,
      tpu.vector_store %arg13[%swap3A_141], %scan3A_127#4 {strides = array<i32>} : memref<1024xi32, #tpu.memory_space<vmem>>, vector<16xi32>,
      %swap3A_143 = arith.index_cast %add3A_139 : i32 to index
      %swap3A_144 = tpu.vector_load %arg14[%swap3A_143] {strides = array<i32>} : memref<1024xf32, #tpu.memory_space<vmem>>, vector<16xf32>,
      tpu.vector_store %arg14[%swap3A_143], %div3A_135 {strides = array<i32>} : memref<1024xf32, #tpu.memory_space<vmem>>, vector<16xf32>,
      %mul3A_145 = arith.mulf %exp3A, %div3A_135 : vector<16xf32>
      %swap3A_146 = arith.index_cast %add3A_139 : i32 to index
      %swap3A_147 = tpu.vector_load %arg15[%swap3A_146] {strides = array<i32>} : memref<1024xf32, #tpu.memory_space<vmem>>, vector<16xf32>,
      tpu.vector_store %arg15[%swap3A_146], %mul3A_145 {strides = array<i32>} : memref<1024xf32, #tpu.memory_space<vmem>>, vector<16xf32>,
      %swap3A_148 = arith.index_cast %add3A_139 : i32 to index
      %swap3A_149 = tpu.vector_load %arg16[%swap3A_148] {strides = array<i32>} : memref<1024xf32, #tpu.memory_space<vmem>>, vector<16xf32>,
      tpu.vector_store %arg16[%swap3A_148], %scan3A_127#2 {strides = array<i32>} : memref<1024xf32, #tpu.memory_space<vmem>>, vector<16xf32>,
    }
    %scan3A_112 = arith.constant 16 : i32
    %run_scoped3A = arith.constant 0 : i32
    "tpu.region"() ({
      %run_scoped3A_118 = tpu.sem_alloc : memref<!tpu.dma_semaphore, #tpu.memory_space<semaphore_mem>>
      %dma_start3A_119 = tpu.memref_slice %arg4[%run_scoped3A, %select_n3A, %mul3A_32] : memref<2x4x8192xi32, #tpu.memory_space<hbm>> -> memref<1x1x1024xi32, #tpu.memory_space<hbm>>
      %dma_start3A_120 = tpu.memref_squeeze %dma_start3A_119 : memref<1x1x1024xi32, #tpu.memory_space<hbm>> -> memref<1024xi32, #tpu.memory_space<hbm>>
      %dma_start3A_121 = tpu.memref_slice %arg4[%run_scoped3A, %select_n3A, %mul3A_32] : memref<2x4x8192xi32, #tpu.memory_space<hbm>> -> memref<1x1x1024xi32, #tpu.memory_space<hbm>>
      %dma_start3A_122 = tpu.memref_squeeze %dma_start3A_121 : memref<1x1x1024xi32, #tpu.memory_space<hbm>> -> memref<1024xi32, #tpu.memory_space<hbm>>
      tpu.enqueue_dma source(%arg12 : memref<1024xi32, #tpu.memory_space<vmem>>) target(%dma_start3A_122 : memref<1024xi32, #tpu.memory_space<hbm>>) target_semaphore(%run_scoped3A_118 : memref<!tpu.dma_semaphore, #tpu.memory_space<semaphore_mem>>)
      %dma_wait3A_123 = tpu.memref_slice %arg4[%run_scoped3A, %select_n3A, %mul3A_32] : memref<2x4x8192xi32, #tpu.memory_space<hbm>> -> memref<1x1x1024xi32, #tpu.memory_space<hbm>>
      %dma_wait3A_124 = tpu.memref_squeeze %dma_wait3A_123 : memref<1x1x1024xi32, #tpu.memory_space<hbm>> -> memref<1024xi32, #tpu.memory_space<hbm>>
      %dma_wait3A_125 = tpu.memref_slice %arg4[%run_scoped3A, %select_n3A, %mul3A_32] : memref<2x4x8192xi32, #tpu.memory_space<hbm>> -> memref<1x1x1024xi32, #tpu.memory_space<hbm>>
      %dma_wait3A_126 = tpu.memref_squeeze %dma_wait3A_125 : memref<1x1x1024xi32, #tpu.memory_space<hbm>> -> memref<1024xi32, #tpu.memory_space<hbm>>
      tpu.wait_dma2 semaphore(%run_scoped3A_118 : memref<!tpu.dma_semaphore, #tpu.memory_space<semaphore_mem>>) src(%arg12 : memref<1024xi32, #tpu.memory_space<vmem>>) dst(%dma_wait3A_126 : memref<1024xi32, #tpu.memory_space<hbm>>)
      tpu.yield
    }) : () -> ()
    %run_scoped3A_113 = arith.constant 1 : i32
    "tpu.region"() ({
      %run_scoped3A_118 = tpu.sem_alloc : memref<!tpu.dma_semaphore, #tpu.memory_space<semaphore_mem>>
      %dma_start3A_119 = tpu.memref_slice %arg4[%run_scoped3A_113, %select_n3A, %mul3A_32] : memref<2x4x8192xi32, #tpu.memory_space<hbm>> -> memref<1x1x1024xi32, #tpu.memory_space<hbm>>
      %dma_start3A_120 = tpu.memref_squeeze %dma_start3A_119 : memref<1x1x1024xi32, #tpu.memory_space<hbm>> -> memref<1024xi32, #tpu.memory_space<hbm>>
      %dma_start3A_121 = tpu.memref_slice %arg4[%run_scoped3A_113, %select_n3A, %mul3A_32] : memref<2x4x8192xi32, #tpu.memory_space<hbm>> -> memref<1x1x1024xi32, #tpu.memory_space<hbm>>
      %dma_start3A_122 = tpu.memref_squeeze %dma_start3A_121 : memref<1x1x1024xi32, #tpu.memory_space<hbm>> -> memref<1024xi32, #tpu.memory_space<hbm>>
      tpu.enqueue_dma source(%arg13 : memref<1024xi32, #tpu.memory_space<vmem>>) target(%dma_start3A_122 : memref<1024xi32, #tpu.memory_space<hbm>>) target_semaphore(%run_scoped3A_118 : memref<!tpu.dma_semaphore, #tpu.memory_space<semaphore_mem>>)
      %dma_wait3A_123 = tpu.memref_slice %arg4[%run_scoped3A_113, %select_n3A, %mul3A_32] : memref<2x4x8192xi32, #tpu.memory_space<hbm>> -> memref<1x1x1024xi32, #tpu.memory_space<hbm>>
      %dma_wait3A_124 = tpu.memref_squeeze %dma_wait3A_123 : memref<1x1x1024xi32, #tpu.memory_space<hbm>> -> memref<1024xi32, #tpu.memory_space<hbm>>
      %dma_wait3A_125 = tpu.memref_slice %arg4[%run_scoped3A_113, %select_n3A, %mul3A_32] : memref<2x4x8192xi32, #tpu.memory_space<hbm>> -> memref<1x1x1024xi32, #tpu.memory_space<hbm>>
      %dma_wait3A_126 = tpu.memref_squeeze %dma_wait3A_125 : memref<1x1x1024xi32, #tpu.memory_space<hbm>> -> memref<1024xi32, #tpu.memory_space<hbm>>
      tpu.wait_dma2 semaphore(%run_scoped3A_118 : memref<!tpu.dma_semaphore, #tpu.memory_space<semaphore_mem>>) src(%arg13 : memref<1024xi32, #tpu.memory_space<vmem>>) dst(%dma_wait3A_126 : memref<1024xi32, #tpu.memory_space<hbm>>)
      tpu.yield
    }) : () -> ()
    %run_scoped3A_114 = arith.constant 0 : i32
    "tpu.region"() ({
      %run_scoped3A_118 = tpu.sem_alloc : memref<!tpu.dma_semaphore, #tpu.memory_space<semaphore_mem>>
      %dma_start3A_119 = tpu.memref_slice %arg5[%run_scoped3A_114, %select_n3A, %mul3A_32] : memref<2x4x8192xf32, #tpu.memory_space<hbm>> -> memref<1x1x1024xf32, #tpu.memory_space<hbm>>
      %dma_start3A_120 = tpu.memref_squeeze %dma_start3A_119 : memref<1x1x1024xf32, #tpu.memory_space<hbm>> -> memref<1024xf32, #tpu.memory_space<hbm>>
      %dma_start3A_121 = tpu.memref_slice %arg5[%run_scoped3A_114, %select_n3A, %mul3A_32] : memref<2x4x8192xf32, #tpu.memory_space<hbm>> -> memref<1x1x1024xf32, #tpu.memory_space<hbm>>
      %dma_start3A_122 = tpu.memref_squeeze %dma_start3A_121 : memref<1x1x1024xf32, #tpu.memory_space<hbm>> -> memref<1024xf32, #tpu.memory_space<hbm>>
      tpu.enqueue_dma source(%arg14 : memref<1024xf32, #tpu.memory_space<vmem>>) target(%dma_start3A_122 : memref<1024xf32, #tpu.memory_space<hbm>>) target_semaphore(%run_scoped3A_118 : memref<!tpu.dma_semaphore, #tpu.memory_space<semaphore_mem>>)
      %dma_wait3A_123 = tpu.memref_slice %arg5[%run_scoped3A_114, %select_n3A, %mul3A_32] : memref<2x4x8192xf32, #tpu.memory_space<hbm>> -> memref<1x1x1024xf32, #tpu.memory_space<hbm>>
      %dma_wait3A_124 = tpu.memref_squeeze %dma_wait3A_123 : memref<1x1x1024xf32, #tpu.memory_space<hbm>> -> memref<1024xf32, #tpu.memory_space<hbm>>
      %dma_wait3A_125 = tpu.memref_slice %arg5[%run_scoped3A_114, %select_n3A, %mul3A_32] : memref<2x4x8192xf32, #tpu.memory_space<hbm>> -> memref<1x1x1024xf32, #tpu.memory_space<hbm>>
      %dma_wait3A_126 = tpu.memref_squeeze %dma_wait3A_125 : memref<1x1x1024xf32, #tpu.memory_space<hbm>> -> memref<1024xf32, #tpu.memory_space<hbm>>
      tpu.wait_dma2 semaphore(%run_scoped3A_118 : memref<!tpu.dma_semaphore, #tpu.memory_space<semaphore_mem>>) src(%arg14 : memref<1024xf32, #tpu.memory_space<vmem>>) dst(%dma_wait3A_126 : memref<1024xf32, #tpu.memory_space<hbm>>)
      tpu.yield
    }) : () -> ()
    %run_scoped3A_115 = arith.constant 1 : i32
    "tpu.region"() ({
      %run_scoped3A_118 = tpu.sem_alloc : memref<!tpu.dma_semaphore, #tpu.memory_space<semaphore_mem>>
      %dma_start3A_119 = tpu.memref_slice %arg5[%run_scoped3A_115, %select_n3A, %mul3A_32] : memref<2x4x8192xf32, #tpu.memory_space<hbm>> -> memref<1x1x1024xf32, #tpu.memory_space<hbm>>
      %dma_start3A_120 = tpu.memref_squeeze %dma_start3A_119 : memref<1x1x1024xf32, #tpu.memory_space<hbm>> -> memref<1024xf32, #tpu.memory_space<hbm>>
      %dma_start3A_121 = tpu.memref_slice %arg5[%run_scoped3A_115, %select_n3A, %mul3A_32] : memref<2x4x8192xf32, #tpu.memory_space<hbm>> -> memref<1x1x1024xf32, #tpu.memory_space<hbm>>
      %dma_start3A_122 = tpu.memref_squeeze %dma_start3A_121 : memref<1x1x1024xf32, #tpu.memory_space<hbm>> -> memref<1024xf32, #tpu.memory_space<hbm>>
      tpu.enqueue_dma source(%arg15 : memref<1024xf32, #tpu.memory_space<vmem>>) target(%dma_start3A_122 : memref<1024xf32, #tpu.memory_space<hbm>>) target_semaphore(%run_scoped3A_118 : memref<!tpu.dma_semaphore, #tpu.memory_space<semaphore_mem>>)
      %dma_wait3A_123 = tpu.memref_slice %arg5[%run_scoped3A_115, %select_n3A, %mul3A_32] : memref<2x4x8192xf32, #tpu.memory_space<hbm>> -> memref<1x1x1024xf32, #tpu.memory_space<hbm>>
      %dma_wait3A_124 = tpu.memref_squeeze %dma_wait3A_123 : memref<1x1x1024xf32, #tpu.memory_space<hbm>> -> memref<1024xf32, #tpu.memory_space<hbm>>
      %dma_wait3A_125 = tpu.memref_slice %arg5[%run_scoped3A_115, %select_n3A, %mul3A_32] : memref<2x4x8192xf32, #tpu.memory_space<hbm>> -> memref<1x1x1024xf32, #tpu.memory_space<hbm>>
      %dma_wait3A_126 = tpu.memref_squeeze %dma_wait3A_125 : memref<1x1x1024xf32, #tpu.memory_space<hbm>> -> memref<1024xf32, #tpu.memory_space<hbm>>
      tpu.wait_dma2 semaphore(%run_scoped3A_118 : memref<!tpu.dma_semaphore, #tpu.memory_space<semaphore_mem>>) src(%arg15 : memref<1024xf32, #tpu.memory_space<vmem>>) dst(%dma_wait3A_126 : memref<1024xf32, #tpu.memory_space<hbm>>)
      tpu.yield
    }) : () -> ()
    %run_scoped3A_116 = arith.constant 0 : i32
    "tpu.region"() ({
      %run_scoped3A_118 = tpu.sem_alloc : memref<!tpu.dma_semaphore, #tpu.memory_space<semaphore_mem>>
      %dma_start3A_119 = tpu.memref_slice %arg6[%run_scoped3A_116, %select_n3A, %mul3A_32] : memref<2x4x8192xf32, #tpu.memory_space<hbm>> -> memref<1x1x1024xf32, #tpu.memory_space<hbm>>
      %dma_start3A_120 = tpu.memref_squeeze %dma_start3A_119 : memref<1x1x1024xf32, #tpu.memory_space<hbm>> -> memref<1024xf32, #tpu.memory_space<hbm>>
      %dma_start3A_121 = tpu.memref_slice %arg6[%run_scoped3A_116, %select_n3A, %mul3A_32] : memref<2x4x8192xf32, #tpu.memory_space<hbm>> -> memref<1x1x1024xf32, #tpu.memory_space<hbm>>
      %dma_start3A_122 = tpu.memref_squeeze %dma_start3A_121 : memref<1x1x1024xf32, #tpu.memory_space<hbm>> -> memref<1024xf32, #tpu.memory_space<hbm>>
      tpu.enqueue_dma source(%arg16 : memref<1024xf32, #tpu.memory_space<vmem>>) target(%dma_start3A_122 : memref<1024xf32, #tpu.memory_space<hbm>>) target_semaphore(%run_scoped3A_118 : memref<!tpu.dma_semaphore, #tpu.memory_space<semaphore_mem>>)
      %dma_wait3A_123 = tpu.memref_slice %arg6[%run_scoped3A_116, %select_n3A, %mul3A_32] : memref<2x4x8192xf32, #tpu.memory_space<hbm>> -> memref<1x1x1024xf32, #tpu.memory_space<hbm>>
      %dma_wait3A_124 = tpu.memref_squeeze %dma_wait3A_123 : memref<1x1x1024xf32, #tpu.memory_space<hbm>> -> memref<1024xf32, #tpu.memory_space<hbm>>
      %dma_wait3A_125 = tpu.memref_slice %arg6[%run_scoped3A_116, %select_n3A, %mul3A_32] : memref<2x4x8192xf32, #tpu.memory_space<hbm>> -> memref<1x1x1024xf32, #tpu.memory_space<hbm>>
      %dma_wait3A_126 = tpu.memref_squeeze %dma_wait3A_125 : memref<1x1x1024xf32, #tpu.memory_space<hbm>> -> memref<1024xf32, #tpu.memory_space<hbm>>
      tpu.wait_dma2 semaphore(%run_scoped3A_118 : memref<!tpu.dma_semaphore, #tpu.memory_space<semaphore_mem>>) src(%arg16 : memref<1024xf32, #tpu.memory_space<vmem>>) dst(%dma_wait3A_126 : memref<1024xf32, #tpu.memory_space<hbm>>)
      tpu.yield
    }) : () -> ()
    %run_scoped3A_117 = arith.constant 1 : i32
    "tpu.region"() ({
      %run_scoped3A_118 = tpu.sem_alloc : memref<!tpu.dma_semaphore, #tpu.memory_space<semaphore_mem>>
      %dma_start3A_119 = tpu.memref_slice %arg6[%run_scoped3A_117, %select_n3A, %mul3A_32] : memref<2x4x8192xf32, #tpu.memory_space<hbm>> -> memref<1x1x1024xf32, #tpu.memory_space<hbm>>
      %dma_start3A_120 = tpu.memref_squeeze %dma_start3A_119 : memref<1x1x1024xf32, #tpu.memory_space<hbm>> -> memref<1024xf32, #tpu.memory_space<hbm>>
      %dma_start3A_121 = tpu.memref_slice %arg6[%run_scoped3A_117, %select_n3A, %mul3A_32] : memref<2x4x8192xf32, #tpu.memory_space<hbm>> -> memref<1x1x1024xf32, #tpu.memory_space<hbm>>
      %dma_start3A_122 = tpu.memref_squeeze %dma_start3A_121 : memref<1x1x1024xf32, #tpu.memory_space<hbm>> -> memref<1024xf32, #tpu.memory_space<hbm>>
      tpu.enqueue_dma source(%arg16 : memref<1024xf32, #tpu.memory_space<vmem>>) target(%dma_start3A_122 : memref<1024xf32, #tpu.memory_space<hbm>>) target_semaphore(%run_scoped3A_118 : memref<!tpu.dma_semaphore, #tpu.memory_space<semaphore_mem>>)
      %dma_wait3A_123 = tpu.memref_slice %arg6[%run_scoped3A_117, %select_n3A, %mul3A_32] : memref<2x4x8192xf32, #tpu.memory_space<hbm>> -> memref<1x1x1024xf32, #tpu.memory_space<hbm>>
      %dma_wait3A_124 = tpu.memref_squeeze %dma_wait3A_123 : memref<1x1x1024xf32, #tpu.memory_space<hbm>> -> memref<1024xf32, #tpu.memory_space<hbm>>
      %dma_wait3A_125 = tpu.memref_slice %arg6[%run_scoped3A_117, %select_n3A, %mul3A_32] : memref<2x4x8192xf32, #tpu.memory_space<hbm>> -> memref<1x1x1024xf32, #tpu.memory_space<hbm>>
      %dma_wait3A_126 = tpu.memref_squeeze %dma_wait3A_125 : memref<1x1x1024xf32, #tpu.memory_space<hbm>> -> memref<1024xf32, #tpu.memory_space<hbm>>
      tpu.wait_dma2 semaphore(%run_scoped3A_118 : memref<!tpu.dma_semaphore, #tpu.memory_space<semaphore_mem>>) src(%arg16 : memref<1024xf32, #tpu.memory_space<vmem>>) dst(%dma_wait3A_126 : memref<1024xf32, #tpu.memory_space<hbm>>)
      tpu.yield
    }) : () -> ()
    return
  }
}

</mosaic_0001>

<sc_bundles>
// kernel: kernel.3.cloned.1.call-start
scs
__scs_entry_jumppad:
0x0: {  	(pc) =	sbr.rel $0x88, $3  }
0x1: {  	(tag) =	ssettag $0x0;
	lr =	simm.s32 $0x1  }
0x2: {  	[smem:$0x3F9F] =	sst lr;
	_ =	strace $0xD0000000  }
0x3: {  	_ = 	snop  }
0x4: {  	_ = 	snop  }
0x5: {  	_ = 	snop  }
0x6: {  	_ = 	snop  }
0x7: {  	_ = 	snop  }
__scs_overlays_trampoline_lowered:
0x8: {  	[smem:$0x3FAE] =	sst s0  }
0x9: {  	[smem:$0x3FAF] =	sst s1  }
0xa: {  	[smem:$0x3FB0] =	sst s2  }
0xb: {  	[smem:$0x3FB1] =	sst s3  }
0xc: {  	[smem:$0x3FB2] =	sst s4  }
0xd: {  	[smem:$0x3FB3] =	sst s5  }
0xe: {  	[smem:$0x3FB4] =	sst s6  }
0xf: {  	[smem:$0x3FB5] =	sst s7  }
0x10: {  	[smem:$0x3FB6] =	sst s8  }
0x11: {  	[smem:$0x3FB7] =	sst s9;
	s0 =	simm.s32 @!p0 $0x0  }
0x12: {  	s1 =	sld [smem:$0x3F9D];
	s0 =	simm.s32 @p0 $0x1  }
0x13: {  	[smem:$0x3FB8] =	sst s0;
	s0 =	simm.s32 @!p1 $0x0  }
0x14: {  	s2 =	sld [smem:$0x3F9C];
	s0 =	simm.s32 @p1 $0x1  }
0x15: {  	[smem:$0x3FB9] =	sst s0;
	s0 =	simm.s32 @!p2 $0x0  }
0x16: {  	s3 =	sld [smem:$0x3FDB];
	s0 =	simm.s32 @p2 $0x1  }
0x17: {  	s4 =	simm.s32 $0x1BF5;
	[smem:$0x3FBB] =	sst s0  }
0x18: {  	s0 =	sld [smem:$0x3F9E];
	_ =	swait.ge [sflag:s4], $0x0  }
0x19: {  	s7 =	sld [smem:$0x3F9F]  }
0x1a: {  	s8 =	sadd.s32 $0xFFFFE003, lr  }
0x1b: {  	s9 =	sadd.s32 $0xFFFFFEF7, lr;
	s5 =	simm.s32 $0xFFFFFFFF;
	p2 =	slt.u32 s8, $0xFFFFF086  }
0x1c: {  	p1 =	slt.u32 s9, $0xF7A;
	s5 =	simm.s32 @!p2 $0x0  }
0x1d: {  	s5 =	simm.s32 @p1 $0x1;
	p0 =	seq.s32 s7, s2  }
0x1e: {  	s7 =	smul.u32 @!p0 $0xF7A, s2;
	p2 =	seq.s32 @!p0 s5, $0x0  }
0x1f: {  	s9 =	smul.u32 $0xF7A, s1;
	s8 =	simm.s32 @!p0 $0x1BF5;
	p2 =	por !p2, p0  }
0x20: {  	[sflag:s8] =	ssyncset.s32 @!p0 $0xFFFFF086;
	s6 =	sadd.s32 @!p0 s3, s7;
	s7 =	simm.s32 @!p0 $0x108  }
0x21: {  	s3 =	sadd.s32 s3, s9;
	s6 =	sadd.s32 @!p0 $0x88, s6;
	s7 =	simm.s32 @p2 $0x1082  }
0x22: {  	[simem:s7], [sflag:s8] =	dma.local @!p0 [hbm:s6], $0xF7A  }
0x23: {  	s9 =	sor.u32 $0xD0000000, s2;
	s6 =	simm.s32 $0x108;
	_ =	swait.ge @!p0 [sflag:s8], $0x0  }
0x24: {  	s3 =	sadd.s32 $0x88, s3;
	s6 =	simm.s32 @!p1 $0x1082;
	[sflag:s4] =	ssyncset.s32 $0xFFFFF086  }
0x25: {  	[simem:s6], [sflag:s4] =	dma.local [hbm:s3], $0xF7A  }
0x26: {  	[smem:$0x3F9F] =	sst s1;
	(tag) =	ssettag s2;
	_ =	strace s9  }
0x27: {  	s1 =	sld [smem:$0x3FAF]  }
0x28: {  	s2 =	sld [smem:$0x3FB0]  }
0x29: {  	s4 =	sld [smem:$0x3FB2]  }
0x2a: {  	p0 =	seq.s32 s5, $0x0;
	s5 =	sld [smem:$0x3FB3]  }
0x2b: {  	s6 =	sld [smem:$0x3FB4]  }
0x2c: {  	s7 =	sld [smem:$0x3FB5]  }
0x2d: {  	s3 =	simm.s32 $0x108;
	s8 =	sld [smem:$0x3FB6]  }
0x2e: {  	s3 =	simm.s32 @!p0 $0x1082;
	s9 =	sld [smem:$0x3FB7]  }
0x2f: {  	lr =	sadd.s32 s0, s3;
	s0 =	sld [smem:$0x3FAE]  }
0x30: {  	s3 =	sld [smem:$0x3FB1]  }
0x31: {  	[smem:$0x3FBA] =	sst s10  }
0x32: {  	s10 =	sld [smem:$0x3FB8];
	_ =	sdelay $0x3  }
0x33: {  	p0 =	seq.s32 s10, $0x1;
	s10 =	sld [smem:$0x3FBA];
	_ =	sdelay $0x3  }
0x34: {  	[smem:$0x3FBA] =	sst s10  }
0x35: {  	s10 =	sld [smem:$0x3FB9];
	_ =	sdelay $0x3  }
0x36: {  	p1 =	seq.s32 s10, $0x1;
	s10 =	sld [smem:$0x3FBA];
	_ =	sdelay $0x3  }
0x37: {  	[smem:$0x3FBA] =	sst s10  }
0x38: {  	s10 =	sld [smem:$0x3FBB]  }
0x39: {  	_ = 	snop;
	(pc) =	sbr.ind lr, $3  }
0x3a: {  	_ = 	snop  }
0x3b: {  	_ = 	snop  }
0x3c: {  	p2 =	seq.s32 s10, $0x1;
	s10 =	sld [smem:$0x3FBA]  }
0x3d: {  	_ =	shalt  }
0x3e: {  	_ =	shalt  }
0x3f: {  	_ =	shalt  }
0x40: {  	_ =	shalt  }
0x41: {  	_ =	shalt  }
0x42: {  	_ =	shalt  }
0x43: {  	_ =	shalt  }
0x44: {  	_ =	shalt  }
0x45: {  	_ =	shalt  }
0x46: {  	_ =	shalt  }
0x47: {  	_ =	shalt  }
0x48: {  	_ =	shalt  }
0x49: {  	_ =	shalt  }
0x4a: {  	_ =	shalt  }
0x4b: {  	_ =	shalt  }
0x4c: {  	_ =	shalt  }
0x4d: {  	_ =	shalt  }
0x4e: {  	_ =	shalt  }
0x4f: {  	_ =	shalt  }
0x50: {  	_ =	shalt  }
0x51: {  	_ =	shalt  }
0x52: {  	_ =	shalt  }
0x53: {  	_ =	shalt  }
0x54: {  	_ =	shalt  }
0x55: {  	_ =	shalt  }
0x56: {  	_ =	shalt  }
0x57: {  	_ =	shalt  }
0x58: {  	_ =	shalt  }
0x59: {  	_ =	shalt  }
0x5a: {  	_ =	shalt  }
0x5b: {  	_ =	shalt  }
0x5c: {  	_ =	shalt  }
0x5d: {  	_ =	shalt  }
0x5e: {  	_ =	shalt  }
0x5f: {  	_ =	shalt  }
0x60: {  	_ =	shalt  }
0x61: {  	_ =	shalt  }
0x62: {  	_ =	shalt  }
0x63: {  	_ =	shalt  }
0x64: {  	_ =	shalt  }
0x65: {  	_ =	shalt  }
0x66: {  	_ =	shalt  }
0x67: {  	_ =	shalt  }
0x68: {  	_ =	shalt  }
0x69: {  	_ =	shalt  }
0x6a: {  	_ =	shalt  }
0x6b: {  	_ =	shalt  }
0x6c: {  	_ =	shalt  }
0x6d: {  	_ =	shalt  }
0x6e: {  	_ =	shalt  }
0x6f: {  	_ =	shalt  }
0x70: {  	_ =	shalt  }
0x71: {  	_ =	shalt  }
0x72: {  	_ =	shalt  }
0x73: {  	_ =	shalt  }
0x74: {  	_ =	shalt  }
0x75: {  	_ =	shalt  }
0x76: {  	_ =	shalt  }
0x77: {  	_ =	shalt  }
0x78: {  	_ =	shalt  }
0x79: {  	_ =	shalt  }
0x7a: {  	_ =	shalt  }
0x7b: {  	_ =	shalt  }
0x7c: {  	_ =	shalt  }
0x7d: {  	_ =	shalt  }
0x7e: {  	_ =	shalt  }
0x7f: {  	_ =	shalt  }
0x80: {  	_ =	shalt  }
0x81: {  	_ =	shalt  }
0x82: {  	_ =	shalt  }
0x83: {  	_ =	shalt  }
0x84: {  	_ =	shalt  }
0x85: {  	_ =	shalt  }
0x86: {  	_ =	shalt  }
0x87: {  	_ =	shalt  }
.Lfunc_end0:
.L_simem_size_0:
called_computation_lowered:
.L_overlay_start_0:
0x88: {  	s2 =	sld [smem:$0x3FD9]  }
0x89: {  	s3 =	sld [smem:$0x3FFE];
	_ =	sdelay $0x1  }
0x8a: {  	s1 =	srdreg.scid  }
0x8b: {  	s0 =	sand.u32 $0x1, s1  }
0x8c: {  	s14 =	sshll.u32 s0, $0xA;
	s2 =	sadd.s32 s3, s2  }
0x8d: {  	s2 =	sadd.s32 s2, s14  }
0x8e: {  	[smem:$0x3FC6] =	sst s2  }
0x8f: {  	_ = 	snop  }
0x90: {  	s2 =	sld [smem:$0x3FD0];
	_ =	sdelay $0x2  }
0x91: {  	s4 =	simm.s32 $0xA;
	s5 =	simm.s32 $0x10;
	s15 =	sld [smem:$0x3FC8]  }
0x92: {  	[smem:s5], [sflag:s4] =	dma.local [hbm:s2], $0x1  }
0x93: {  	_ =	swait.eq [sflag:s4], $0x1  }
0x94: {  	[sflag:s4] =	ssyncset.done $0x0  }
0x95: {  	[sflag:s4] =	ssyncadd.s32 $0xFFFFFFFF  }
0x96: {  	s16 =	sld [smem:$0x12];
	(tm) =	ssettm $0x1  }
0x97: {  	s17 =	sld [smem:$0x3FFB];
	_ =	sdelay $0x3  }
0x98: {  	_ =	strace s17  }
0x99: {  	s4 =	sld [smem:$0x3FFC];
	_ =	sdelay $0x3  }
0x9a: {  	_ =	strace s4  }
0x9b: {  	s4 =	sld [smem:$0x3FFD];
	_ =	sdelay $0x3  }
0x9c: {  	_ =	strace s4  }
0x9d: {  	_ =	strace $0x8FFFFFFF  }
0x9e: {  	s18 =	sld [smem:$0x3FDB];
	_ =	sdelay $0x1  }
0x9f: {  	s19 =	simm.s32 $_scs_section_size  }
0xa0: {  	s6 =	simm.s32 $_size__tile_overlayer_lowered;
	s7 =	simm.s32 $_tile_overlayer_lowered  }
0xa1: {  	s22 =	simm.s32 $0x1BFF;
	s21 =	sshll.u32 s7, $0x1;
	s4 =	sadd.s32 s19, s18  }
0xa2: {  	s8 =	simm.s32 $0x0;
	s20 =	sshll.u32 s6, $0x1;
	s6 =	sadd.s32 s21, s4  }
0xa3: {  	[timem:s8], [sflag:s22] =	dma.local [hbm:s6], s20  }
0xa4: {  	_ =	swait.ge [sflag:s22], s20  }
0xa5: {  	s5 =	ssub.s32 $0x0, s20;
	[sflag:s22] =	ssyncset.done $0x0  }
0xa6: {  	[sflag:s22] =	ssyncadd.s32 s5;
	_ =	sdelay $0x1  }
0xa7: {  	s23 =	simm.s32 $0x1B8B  }
0xa8: {  	_ =	swait.ge [sflag:s23], $0x1  }
0xa9: {  	[sflag:s23] =	ssyncset.done $0x0  }
0xaa: {  	s25 =	simm.s32 $0x1B8E;
	s24 =	sld [smem:$0x3FFE];
	[sflag:s23] =	ssyncadd.s32 $0xFFFFFFFF  }
0xab: {  	s26 =	simm.s32 $execute0_lowered;
	[smem:$0x3FD2] =	sst s25  }
0xac: {  	s6 =	sshll.u32 s26, $0x1;
	_ =	strace $0x80000046;
	[dreg:$0x1] =	wrdreg $0xFFFFFFFF  }
0xad: {  	s28 =	simm.s32 $_size_execute0_lowered;
	s4 =	sadd.s32 s4, s6;
	[dreg:$0x0] =	wrdreg $0x0  }
0xae: {  	s6 =	sshll.u32 s28, $0x1;
	[dreg:$0x2] =	wrdreg s4  }
0xaf: {  	[dreg:$0x3] =	wrdreg s6  }
0xb0: {  	[dreg:$0x4] =	wrdreg $0xC0  }
0xb1: {  	_ =	task [dreg:s8], $0x5FFFF  }
0xb2: {  	[dreg:$0x1] =	wrdreg $0xFFFFFFFF  }
0xb3: {  	[dreg:$0x0] =	wrdreg $0x60  }
0xb4: {  	[dreg:$0x2] =	wrdreg s24  }
0xb5: {  	[dreg:$0x3] =	wrdreg s15  }
0xb6: {  	[dreg:$0x4] =	wrdreg s16  }
0xb7: {  	[dreg:$0x5] =	wrdreg $0x9  }
0xb8: {  	_ =	task.clear_ibuf [dreg:s8], $0x6FFFF;
	_ =	strace $0x90000046  }
0xb9: {  	s29 =	simm.s32 $0x9;
	_ =	strace $0x80000048  }
0xba: {  	_ =	swait.ge [sflag:s29], $0x1  }
0xbb: {  	[sflag:s29] =	ssyncadd.s32 $0xFFFFFFFF  }
0xbc: {  	_ =	strace $0x90000048  }
0xbd: {  	_ =	sfence  }
0xbe: {  	s30 =	sld [smem:$0x0];
	_ =	sdelay $0x2  }
0xbf: {  	s31 =	sshll.u32 s1, $0xD;
	s1 =	sshrl.u32 s1, $0x2  }
0xc0: {  	s3 =	sand.u32 $0x4000, s31;
	s1 =	sadd.s32 s1, s30  }
0xc1: {  	s0 =	sor.u32 s3, s0;
	s1 =	sshll.u32 s1, $0x11  }
0xc2: {  	s0 =	sor.u32 s1, s0  }
0xc3: {  	s0 =	sadd.s32 $0x8F2B, s0  }
0xc4: {  	[sflag:s0] =	ssyncadd.remote.s32 $0x1  }
0xc5: {  	_ =	sfence.sel $0xFFFF  }
0xc6: {  	[dreg:$0x0] =	wrdreg $0xFFFFFFFF;
	(pc) =	sbr.abs _section_cstart, $3  }
0xc7: {  	[dreg:$0x1] =	wrdreg $0xFFFFFFFF  }
0xc8: {  	_ =	task.clear_ibuf [dreg:s8], $0x2FFFF;
	_ =	strace $0x9FFFFFFF  }
0xc9: {  	(tm) =	ssettm $0x7FFFFFFF  }
tec
execute0_lowered:
.L_overlay_start_1:
0x0: {  	(tag) =	ssettag $0x1  }
0x1: {  	s4 =	rddreg [dreg:$0x0]  }
0x2: {  	s0 =	stileid.u32;
	s2 =	rddreg [dreg:$0x1]  }
0x3: {  	s1 =	srdreg.scid;
	s9 =	rddreg [dreg:$0x2];
	s16 =	simm.s32 $0x3  }
0x4: {  	s17 =	simm.s32 $0x8000;
	s18 =	simm.s32 $0x1;
	s19 =	simm.s32 $0x2  }
0x5: {  	s20 =	simm.s32 $0x80;
	s21 =	simm.s32 $0x200;
	s22 =	simm.s32 $0x10080  }
0x6: {  	s23 =	simm.s32 $0x10480;
	s24 =	simm.s32 $0x10880;
	s25 =	simm.s32 $0x10C80  }
0x7: {  	s26 =	simm.s32 $0x11080;
	s28 =	simm.s32 $0x0;
	s3 =	sshll.u32 s0, $0x1  }
0x8: {  	s5 =	sand.u32 $0x1, s1;
	s1 =	rddreg [dreg:$0x3];
	s6 =	sshrl.u32 s0, $0x2  }
0x9: {  	s11 =	sadd.s32 $0x80800, s4;
	s13 =	sadd.s32 $0x82800, s4;
	s3 =	sand.u32 $0x6, s3  }
0xa: {  	s8 =	sshll.u32 s6, $0x11;
	s31 =	ssub.s32 $0x2, s5;
	s6 =	sshll.u32 s6, $0x4  }
0xb: {  	s7 =	sor.u32 s5, s3;
	s3 =	simm.s32 $0x0;
	s5 =	sshrl.u32 s31, $0x1  }
0xc: {  	s10 =	sshll.u32 s7, $0xE;
	[smem:$0x7FF] =	sst s3;
	s7 =	sshll.u32 s7, $0x9  }
0xd: {  	s14 =	ssub.s32 s31, s5;
	s8 =	sor.u32 s8, s10;
	_ =	strace $0x80000047  }
0xe: {  	s12 =	sor.u32 s6, s7;
	s14 =	smax.u32 s14, $0x1;
	s8 =	sadd.s32 s8, s4  }
0xf: {  	s15 =	sor.u32 $0x1000, s12;
	s10 =	sadd.s32 s11, s12;
	s4 =	sadd.s32 $0x800, s8  }
0x10: {  	s5 =	sadd.s32 $0x1800, s8;
	s6 =	sadd.s32 $0x2800, s8;
	s7 =	sadd.s32 $0x3800, s8  }
0x11: {  	v0 =	vlaneseq.u32;
	s8 =	sadd.s32 s9, s12;
	s9 =	sadd.s32 s9, s15;
	s11 =	sadd.s32 s11, s15  }
0x12: {  	v0 =	vmul.u32 $0x80, v0;
	s12 =	sadd.s32 s13, s12;
	s13 =	sadd.s32 s13, s15;
	s15 =	simm.s32 $0x10000  }
.LBB2_1:
0x13: {  	[tilespmem:s15], [sflag:$0x3] =	stream.linear.gather [hbm4b:s2+s3], $0x80, $0x38;
	[tilespmem:$0x11480] =	vst v63  }
0x14: {  	_ =	swait.ge [sflag:s16], $0x80  }
0x15: {  	[sflag:s16] =	ssyncset.done $0x0  }
0x16: {  	[sflag:s16] =	ssyncadd.s32 $0xFFFFFF80  }
0x17: {  	[tilespmem:s3], [sflag:$0x1] =	stream.linear.gather [hbm4b:s4+s3], $0x8000, $0x38;
	[tilespmem:$0x11480] =	vst v63  }
0x18: {  	_ = 	snop  }
0x19: {  	[tilespmem:s17], [sflag:$0x2] =	stream.linear.gather [hbm4b:s5+s3], $0x8000, $0x38;
	[tilespmem:$0x11480] =	vst v63  }
0x1a: {  	_ =	swait.ge [sflag:s18], $0x8000  }
0x1b: {  	[sflag:s18] =	ssyncset.done $0x0  }
0x1c: {  	s29 =	simm.s32 $0x0;
	[sflag:s18] =	ssyncadd.s32 $0xFFFF8000  }
.LBB2_2:
0x1d: {  	s30 =	sshll.u32 s29, $0x4  }
0x1e: {  	v6 =	vimm.s32 $0x0;
	v1 =	vmov s30  }
0x1f: {  	v9 =	vor.u32 $0x1, v6;
	v1 =	vshll.u32 v1, $0x7  }
0x20: {  	v2 =	vand.u32 $0xFFFFFF80, v6;
	v10 =	vor.u32 $0x2, v6;
	v7 =	vor.u32 v0, v1  }
0x21: {  	v3 =	vand.u32 $0x78, v6;
	v1 =	vor.u32 $0x3, v6;
	v8 =	vadd.s32 v7, v2  }
0x22: {  	v2 =	vand.u32 $0x79, v9;
	v3 =	vor.u32 v3, v8  }
0x23: {  	v5 =	vand.u32 $0x7A, v10;
	v4 =	vor.u32 v2, v8;
	v12 =	vld.idx.msk [tilespmem:v6+s15+$0x0], $0xffff  }
0x24: {  	v2 =	vand.u32 $0x7B, v1;
	v14 =	vor.u32 v5, v8;
	v13 =	vld.idx.msk [tilespmem:v9+s15+$0x0], $0xffff  }
0x25: {  	v11 =	vor.u32 v2, v8;
	v2 =	vor.u32 $0x5, v6;
	v19 =	vld.idx.msk [tilespmem:v10+s15+$0x0], $0xffff  }
0x26: {  	v16 =	vand.u32 $0x7D, v2;
	v15 =	vld.idx.msk [tilespmem:v1+s15+$0x0], $0xffff  }
0x27: {  	v16 =	vor.u32 v16, v8;
	v3 =	vld.idx.msk [tilespmem:v3+s3+$0x0], $0xffff  }
0x28: {  	v17 =	vld.idx.msk [tilespmem:v4+s3+$0x0], $0xffff  }
0x29: {  	v5 =	vor.u32 $0x4, v6;
	v14 =	vld.idx.msk [tilespmem:v14+s3+$0x0], $0xffff  }
0x2a: {  	v4 =	vand.u32 $0x7C, v5;
	v11 =	vld.idx.msk [tilespmem:v11+s3+$0x0], $0xffff  }
0x2b: {  	v18 =	vor.u32 v4, v8;
	v4 =	vor.u32 $0x6, v6;
	v21 =	vld.idx.msk [tilespmem:v2+s15+$0x0], $0xffff  }
0x2c: {  	v20 =	vimm.f32 $-Inf;
	v22 =	vand.u32 $0x7E, v4;
	v16 =	vld.idx.msk [tilespmem:v16+s3+$0x0], $0xffff  }
0x2d: {  	v22 =	vor.u32 v22, v8;
	v12 =	vmul.f32 v12, v3;
	v3 =	vor.u32 $0x7, v6  }
0x2e: {  	v13 =	vmul.f32 v13, v17;
	v14 =	vmul.f32 v19, v14;
	v17 =	vand.u32 $0x7F, v3  }
0x2f: {  	v23 =	vld.idx.msk [tilespmem:v5+s15+$0x0], $0xffff;
	v11 =	vmul.f32 v15, v11;
	v24 =	vmin.f32 v20, v12;
	vm0 =	vgt.f32 v12, v20  }
0x30: {  	v15 =	vld.idx.msk [tilespmem:v18+s3+$0x0], $0xffff;
	v25 =	vor.u32 v17, v8;
	v17 =	vmax.f32 v20, v24;
	v18 =	vsel vm0, v6, v6  }
0x31: {  	v20 =	vmax.f32 v20, v12;
	v8 =	vmul.f32 v21, v16;
	vm1 =	vgt.f32 v13, v17  }
0x32: {  	v19 =	vmin.f32 v17, v13;
	v12 =	vsel vm0, v6, v18;
	v16 =	vmin.f32 v20, v13  }
0x33: {  	v21 =	vld.idx.msk [tilespmem:v22+s3+$0x0], $0xffff;
	v22 =	vmax.f32 v20, v13;
	vm0 =	vgt.f32 v13, v20;
	v24 =	vmax.f32 v17, v16  }
0x34: {  	v26 =	vsel vm1, v9, v12;
	v16 =	vmax.f32 v17, v19;
	vm2 =	vgt.f32 v14, v22  }
0x35: {  	v9 =	vsel vm0, v9, v18;
	v17 =	vmin.f32 v22, v14;
	v12 =	vmul.f32 v23, v15;
	v15 =	vld.idx.msk [tilespmem:v4+s15+$0x0], $0xffff  }
0x36: {  	vm1 =	vgt.f32 v14, v24;
	v13 =	vsel vm0, v18, v26;
	v18 =	vmax.f32 v24, v17  }
0x37: {  	v17 =	vsel vm2, v10, v9;
	v20 =	vmin.f32 v24, v14;
	v13 =	vsel vm1, v10, v13  }
0x38: {  	v10 =	vmax.f32 v22, v14;
	vm1 =	vgt.f32 v11, v18;
	v19 =	vsel vm2, v9, v13  }
0x39: {  	v13 =	vmin.f32 v18, v11;
	vm0 =	vgt.f32 v11, v10;
	v22 =	vmin.f32 v10, v11  }
0x3a: {  	s31 =	simm.s32 $0x7;
	v14 =	vmax.f32 v18, v22;
	v18 =	vmax.f32 v10, v11;
	v9 =	vmul.f32 v15, v21;
	v15 =	vld.idx.msk [tilespmem:v25+s3+$0x0], $0xffff  }
.LBB2_3:
0x3b: {  	p0 =	sne.s32 s31, $0x1;
	s31 =	sadd.s32 $0xFFFFFFFF, s31;
	v21 =	vsel vm0, v1, v17;
	v22 =	vmax.f32 v18, v12;
	v6 =	vadd.s32 $0x8, v6  }
0x3c: {  	v23 =	vand.u32 $0x78, v6;
	v11 =	vor.u32 $0x1, v6;
	v24 =	vor.u32 $0x7, v6;
	v25 =	vld.idx.msk [tilespmem:v3+s15+$0x0], $0xffff  }
0x3d: {  	v27 =	vmin.f32 v14, v12;
	v10 =	vor.u32 $0x2, v6;
	v26 =	vand.u32 $0x79, v11  }
0x3e: {  	v16 =	vmax.f32 v16, v20;
	v28 =	vor.u32 $0x6, v6;
	v20 =	vmin.f32 v22, v8  }
0x3f: {  	v29 =	vor.u32 $0x3, v6;
	v30 =	vor.u32 $0x4, v6;
	v31 =	vand.u32 $0x7E, v28  }
0x40: {  	v19 =	vsel vm1, v1, v19;
	v33 =	vmax.f32 v22, v8;
	v32 =	vand.u32 $0x7C, v30;
	v1 =	vmovc v29  }
0x41: {  	vm3 =	vgt.f32 v12, v14;
	v29 =	vmin.f32 v33, v9;
	v34 =	vmax.f32 v33, v9  }
0x42: {  	v35 =	vand.u32 $0xFFFFFF80, v6;
	vm2 =	vgt.f32 v8, v22;
	v15 =	vmul.f32 v25, v15  }
0x43: {  	v17 =	vsel vm0, v17, v19;
	v22 =	vadd.s32 v7, v35;
	v25 =	vand.u32 $0x7A, v10  }
0x44: {  	v19 =	vor.u32 v23, v22;
	v23 =	vor.u32 v26, v22;
	v26 =	vmax.f32 v34, v15  }
0x45: {  	vm1 =	vgt.f32 v9, v33;
	v35 =	vand.u32 $0x7B, v1;
	vm0 =	vgt.f32 v15, v34  }
0x46: {  	vm4 =	vgt.f32 v12, v18;
	v12 =	vmin.f32 v18, v12;
	v33 =	vor.u32 v35, v22  }
0x47: {  	v13 =	vmax.f32 v16, v13;
	v16 =	vsel vm4, v5, v21;
	v32 =	vor.u32 v32, v22;
	v18 =	vld.idx.msk [tilespmem:v6+s15+$0x0], $0xffff  }
0x48: {  	v12 =	vmax.f32 v14, v12;
	v13 =	vmax.f32 v13, v27;
	v27 =	vsel vm3, v5, v17;
	v35 =	vld.idx.msk [tilespmem:v11+s15+$0x0], $0xffff  }
0x49: {  	vm3 =	vgt.f32 v8, v12;
	v20 =	vmax.f32 v12, v20;
	v14 =	vor.u32 v25, v22;
	v17 =	vld.idx.msk [tilespmem:v1+s15+$0x0], $0xffff  }
0x4a: {  	v5 =	vmovc v30;
	v21 =	vsel vm4, v21, v27;
	vm4 =	vgt.f32 v9, v20;
	v25 =	vor.u32 $0x5, v6;
	v23 =	vld.idx.msk [tilespmem:v23+s3+$0x0], $0xffff  }
0x4b: {  	v8 =	vmin.f32 v12, v8;
	v12 =	vsel vm3, v2, v21;
	v27 =	vand.u32 $0x7D, v25;
	v19 =	vld.idx.msk [tilespmem:v19+s3+$0x0], $0xffff  }
0x4c: {  	v8 =	vmax.f32 v13, v8;
	v12 =	vsel vm2, v16, v12;
	v27 =	vor.u32 v27, v22;
	v21 =	vld.idx.msk [tilespmem:v33+s3+$0x0], $0xffff  }
0x4d: {  	v9 =	vmin.f32 v20, v9;
	v13 =	vmax.f32 v20, v29;
	v20 =	vmin.f32 v34, v15  }
0x4e: {  	v8 =	vmax.f32 v8, v9;
	v9 =	vsel vm4, v4, v12;
	vm3 =	vgt.f32 v15, v13;
	v14 =	vld.idx.msk [tilespmem:v14+s3+$0x0], $0xffff  }
0x4f: {  	v16 =	vsel vm2, v2, v16;
	v33 =	vmin.f32 v13, v15;
	v13 =	vmax.f32 v13, v20;
	v12 =	vld.idx.msk [tilespmem:v10+s15+$0x0], $0xffff  }
0x50: {  	v2 =	vmovc v25;
	v15 =	vand.u32 $0x7F, v24;
	v29 =	vmax.f32 v8, v33;
	v20 =	vmul.f32 v35, v23;
	v23 =	vld.idx.msk [tilespmem:v25+s15+$0x0], $0xffff  }
0x51: {  	v9 =	vsel vm1, v16, v9;
	v15 =	vor.u32 v15, v22;
	v8 =	vmul.f32 v18, v19;
	v18 =	vld.idx.msk [tilespmem:v27+s3+$0x0], $0xffff  }
0x52: {  	v16 =	vsel vm1, v4, v16;
	v19 =	vor.u32 v31, v22;
	v21 =	vmul.f32 v17, v21;
	v17 =	vld.idx.msk [tilespmem:v30+s15+$0x0], $0xffff  }
0x53: {  	v25 =	vsel vm0, v3, v16;
	vm1 =	vgt.f32 v8, v13;
	v30 =	vmin.f32 v26, v8;
	v22 =	vld.idx.msk [tilespmem:v32+s3+$0x0], $0xffff  }
0x54: {  	v4 =	vmovc v28;
	vm2 =	vgt.f32 v8, v26;
	v27 =	vmin.f32 v13, v8;
	v13 =	vmax.f32 v13, v30  }
0x55: {  	v9 =	vsel vm3, v3, v9;
	v3 =	vmovc v24;
	vm4 =	vgt.f32 v20, v13;
	v14 =	vmul.f32 v12, v14  }
0x56: {  	v9 =	vsel vm0, v16, v9;
	v24 =	vsel vm2, v6, v25;
	v28 =	vmin.f32 v13, v20;
	v15 =	vld.idx.msk [tilespmem:v15+s3+$0x0], $0xffff  }
0x57: {  	v16 =	vmax.f32 v26, v8;
	v9 =	vsel vm1, v6, v9;
	v8 =	vmul.f32 v23, v18;
	v18 =	vld.idx.msk [tilespmem:v19+s3+$0x0], $0xffff  }
0x58: {  	v9 =	vsel vm2, v25, v9;
	v12 =	vmin.f32 v16, v20;
	v23 =	vmax.f32 v16, v20  }
0x59: {  	v25 =	vmax.f32 v13, v12;
	v9 =	vsel vm4, v11, v9;
	v12 =	vmul.f32 v17, v22;
	v22 =	vld.idx.msk [tilespmem:v4+s15+$0x0], $0xffff  }
0x5a: {  	vm0 =	vgt.f32 v20, v16;
	v13 =	vmax.f32 v29, v27;
	vm1 =	vgt.f32 v14, v25  }
0x5b: {  	v16 =	vmax.f32 v13, v28;
	v9 =	vsel vm0, v24, v9;
	vm2 =	vgt.f32 v14, v23  }
.Ltmp0:
0x5c: {  	v11 =	vsel vm0, v11, v24;
	v13 =	vmin.f32 v23, v14;
	v9 =	vsel vm1, v10, v9;
	(pc) =	sbr.rel @p0 .LBB2_3-.Ltmp0, $4  }
0x5d: {  	v24 =	vmax.f32 v25, v13;
	v19 =	vsel vm2, v11, v9;
	v17 =	vsel vm2, v10, v11  }
0x5e: {  	v10 =	vmax.f32 v23, v14;
	vm1 =	vgt.f32 v21, v24;
	v13 =	vmin.f32 v24, v21  }
0x5f: {  	vm0 =	vgt.f32 v21, v10;
	v11 =	vmin.f32 v10, v21;
	v9 =	vmul.f32 v22, v18  }
0x60: {  	v20 =	vmin.f32 v25, v14;
	v14 =	vmax.f32 v24, v11;
	v18 =	vmax.f32 v10, v21  }
0x61: {  	_ =	sdelay $0x3  }
0x62: {  	v6 =	vld.idx.msk [tilespmem:v3+s15+$0x0], $0xffff;
	_ =	sdelay $0x2  }
0x63: {  	v7 =	vmax.f32 v18, v12  }
0x64: {  	v11 =	vmin.f32 v18, v12;
	v10 =	vmin.f32 v7, v8  }
0x65: {  	v21 =	vmax.f32 v7, v8;
	v11 =	vmax.f32 v14, v11;
	v6 =	vmul.f32 v6, v15  }
0x66: {  	v53 =	vmin.f32 v21, v9;
	v22 =	vmax.f32 v21, v9;
	v10 =	vmax.f32 v11, v10  }
0x67: {  	v15 =	vmax.f32 v10, v53;
	v23 =	vmin.f32 v22, v6  }
0x68: {  	v24 =	vmax.f32 v22, v6;
	v23 =	vmax.f32 v15, v23  }
0x69: {  	v23 =	vsub.f32 v23, v24;
	_ =	sdelay $0x1  }
0x6a: {  	v23 =	vmul.f32 $1.442695020e+00, v23;
	_ =	sdelay $0x1  }
0x6b: {  	(erf) = vpow2.f32 v23;
	_ =	sdelay $0x8  }
0x6c: {  	v23 =	vpop (erf)  }
0x6d: {  	v19 =	vsel vm1, v1, v19;
	v54 =	vadd.f32 $1.000000000e+00, v23  }
0x6e: {  	v1 =	vsel vm0, v1, v17;
	vm10 =	vgt.f32 v12, v14;
	v55 =	vsel vm0, v17, v19  }
0x6f: {  	vm11 =	vgt.f32 v12, v18;
	v57 =	vsel vm10, v5, v55;
	(erf) = vrcp.f32 v54  }
0x70: {  	v56 =	vmin.f32 v14, v12;
	vm12 =	vgt.f32 v8, v11;
	v12 =	vsel vm11, v1, v57  }
0x71: {  	vm2 =	vgt.f32 v8, v7;
	v1 =	vsel vm11, v5, v1;
	v58 =	vsel vm12, v2, v12  }
0x72: {  	v16 =	vmax.f32 v16, v20;
	vm14 =	vgt.f32 v9, v10;
	v5 =	vsel vm2, v1, v58  }
0x73: {  	vm13 =	vgt.f32 v9, v21;
	v1 =	vsel vm2, v2, v1;
	v5 =	vsel vm14, v4, v5  }
0x74: {  	v59 =	vmax.f32 v16, v13;
	vm15 =	vgt.f32 v6, v15;
	v2 =	vsel vm13, v1, v5  }
0x75: {  	s29 =	sadd.s32 $0x1, s29;
	vm3 =	vgt.f32 v6, v22;
	v1 =	vsel vm13, v4, v1;
	v2 =	vsel vm15, v3, v2  }
0x76: {  	p0 =	sne.s32 s29, $0x10;
	v61 =	vmin.f32 v11, v8;
	v60 =	vsel vm3, v3, v1;
	v3 =	vmax.f32 v59, v56  }
.Ltmp1:
0x77: {  	v62 =	vmin.f32 v10, v9;
	v1 =	vsel vm3, v1, v2;
	[tilespmem:s30+$0x10080] =	vst v60;
	v3 =	vmax.f32 v3, v61;
	(pc) =	sbr.rel @p0 .LBB2_2-.Ltmp1, $4  }
0x78: {  	v63 =	vmin.f32 v15, v6;
	[tilespmem:s30+$0x10480] =	vst v1;
	v3 =	vmax.f32 v3, v62;
	v2 =	vpop (erf)  }
0x79: {  	v1 =	vmul.f32 v2, v23;
	[tilespmem:s30+$0x10880] =	vst v2;
	v2 =	vmax.f32 v3, v63  }
0x7a: {  	[tilespmem:s30+$0x11080] =	vst v2  }
0x7b: {  	[tilespmem:s30+$0x10C80] =	vst v1  }
0x7c: {  	s29 =	simm.s32 $0x0  }
0x7d: {  	[tilespmem:s29], [sflag:$0x1] =	stream.linear.gather [hbm4b:s6+s29], $0x8000, $0x38;
	[tilespmem:$0x11480] =	vst v63  }
0x7e: {  	_ =	swait.ge [sflag:s19], $0x8000  }
0x7f: {  	[sflag:s19] =	ssyncset.done $0x0  }
0x80: {  	[sflag:s19] =	ssyncadd.s32 $0xFFFF8000  }
.LBB2_6:
0x81: {  	s30 =	sshll.u32 s29, $0x4  }
0x82: {  	v6 =	vimm.s32 $0x0;
	v1 =	vmov s30  }
0x83: {  	v9 =	vor.u32 $0x1, v6;
	v1 =	vshll.u32 v1, $0x7  }
0x84: {  	v2 =	vand.u32 $0xFFFFFF80, v6;
	v10 =	vor.u32 $0x2, v6;
	v7 =	vor.u32 v0, v1  }
0x85: {  	v3 =	vand.u32 $0x78, v6;
	v1 =	vor.u32 $0x3, v6;
	v8 =	vadd.s32 v7, v2  }
0x86: {  	v2 =	vand.u32 $0x79, v9;
	v3 =	vor.u32 v3, v8  }
0x87: {  	v5 =	vand.u32 $0x7A, v10;
	v4 =	vor.u32 v2, v8;
	v12 =	vld.idx.msk [tilespmem:v6+s15+$0x0], $0xffff  }
0x88: {  	v2 =	vand.u32 $0x7B, v1;
	v14 =	vor.u32 v5, v8;
	v13 =	vld.idx.msk [tilespmem:v9+s15+$0x0], $0xffff  }
0x89: {  	v11 =	vor.u32 v2, v8;
	v2 =	vor.u32 $0x5, v6;
	v19 =	vld.idx.msk [tilespmem:v10+s15+$0x0], $0xffff  }
0x8a: {  	v16 =	vand.u32 $0x7D, v2;
	v15 =	vld.idx.msk [tilespmem:v1+s15+$0x0], $0xffff  }
0x8b: {  	v16 =	vor.u32 v16, v8;
	v3 =	vld.idx.msk [tilespmem:v3+s17+$0x0], $0xffff  }
0x8c: {  	v17 =	vld.idx.msk [tilespmem:v4+s17+$0x0], $0xffff  }
0x8d: {  	v5 =	vor.u32 $0x4, v6;
	v14 =	vld.idx.msk [tilespmem:v14+s17+$0x0], $0xffff  }
0x8e: {  	v4 =	vand.u32 $0x7C, v5;
	v11 =	vld.idx.msk [tilespmem:v11+s17+$0x0], $0xffff  }
0x8f: {  	v18 =	vor.u32 v4, v8;
	v4 =	vor.u32 $0x6, v6;
	v21 =	vld.idx.msk [tilespmem:v2+s15+$0x0], $0xffff  }
0x90: {  	v20 =	vimm.f32 $-Inf;
	v22 =	vand.u32 $0x7E, v4;
	v16 =	vld.idx.msk [tilespmem:v16+s17+$0x0], $0xffff  }
0x91: {  	v22 =	vor.u32 v22, v8;
	v12 =	vmul.f32 v12, v3;
	v3 =	vor.u32 $0x7, v6  }
0x92: {  	v13 =	vmul.f32 v13, v17;
	v14 =	vmul.f32 v19, v14;
	v17 =	vand.u32 $0x7F, v3  }
0x93: {  	v23 =	vld.idx.msk [tilespmem:v5+s15+$0x0], $0xffff;
	v11 =	vmul.f32 v15, v11;
	v24 =	vmin.f32 v20, v12;
	vm0 =	vgt.f32 v12, v20  }
0x94: {  	v15 =	vld.idx.msk [tilespmem:v18+s17+$0x0], $0xffff;
	v25 =	vor.u32 v17, v8;
	v17 =	vmax.f32 v20, v24;
	v18 =	vsel vm0, v6, v6  }
0x95: {  	v20 =	vmax.f32 v20, v12;
	v8 =	vmul.f32 v21, v16;
	vm1 =	vgt.f32 v13, v17  }
0x96: {  	v19 =	vmin.f32 v17, v13;
	v12 =	vsel vm0, v6, v18;
	v16 =	vmin.f32 v20, v13  }
0x97: {  	v21 =	vld.idx.msk [tilespmem:v22+s17+$0x0], $0xffff;
	v22 =	vmax.f32 v20, v13;
	vm0 =	vgt.f32 v13, v20;
	v24 =	vmax.f32 v17, v16  }
0x98: {  	v26 =	vsel vm1, v9, v12;
	v16 =	vmax.f32 v17, v19;
	vm2 =	vgt.f32 v14, v22  }
0x99: {  	v9 =	vsel vm0, v9, v18;
	v17 =	vmin.f32 v22, v14;
	v12 =	vmul.f32 v23, v15;
	v15 =	vld.idx.msk [tilespmem:v4+s15+$0x0], $0xffff  }
0x9a: {  	vm1 =	vgt.f32 v14, v24;
	v13 =	vsel vm0, v18, v26;
	v18 =	vmax.f32 v24, v17  }
0x9b: {  	v17 =	vsel vm2, v10, v9;
	v20 =	vmin.f32 v24, v14;
	v13 =	vsel vm1, v10, v13  }
0x9c: {  	v10 =	vmax.f32 v22, v14;
	vm1 =	vgt.f32 v11, v18;
	v19 =	vsel vm2, v9, v13  }
0x9d: {  	v13 =	vmin.f32 v18, v11;
	vm0 =	vgt.f32 v11, v10;
	v22 =	vmin.f32 v10, v11  }
0x9e: {  	s31 =	simm.s32 $0x7;
	v14 =	vmax.f32 v18, v22;
	v18 =	vmax.f32 v10, v11;
	v9 =	vmul.f32 v15, v21;
	v15 =	vld.idx.msk [tilespmem:v25+s17+$0x0], $0xffff  }
.LBB2_7:
0x9f: {  	p0 =	sne.s32 s31, $0x1;
	s31 =	sadd.s32 $0xFFFFFFFF, s31;
	v21 =	vsel vm0, v1, v17;
	v22 =	vmax.f32 v18, v12;
	v6 =	vadd.s32 $0x8, v6  }
0xa0: {  	v23 =	vand.u32 $0x78, v6;
	v11 =	vor.u32 $0x1, v6;
	v24 =	vor.u32 $0x7, v6;
	v25 =	vld.idx.msk [tilespmem:v3+s15+$0x0], $0xffff  }
0xa1: {  	v27 =	vmin.f32 v14, v12;
	v10 =	vor.u32 $0x2, v6;
	v26 =	vand.u32 $0x79, v11  }
0xa2: {  	v16 =	vmax.f32 v16, v20;
	v28 =	vor.u32 $0x6, v6;
	v20 =	vmin.f32 v22, v8  }
0xa3: {  	v29 =	vor.u32 $0x3, v6;
	v30 =	vor.u32 $0x4, v6;
	v31 =	vand.u32 $0x7E, v28  }
0xa4: {  	v19 =	vsel vm1, v1, v19;
	v33 =	vmax.f32 v22, v8;
	v32 =	vand.u32 $0x7C, v30;
	v1 =	vmovc v29  }
0xa5: {  	vm3 =	vgt.f32 v12, v14;
	v29 =	vmin.f32 v33, v9;
	v34 =	vmax.f32 v33, v9  }
0xa6: {  	v35 =	vand.u32 $0xFFFFFF80, v6;
	vm2 =	vgt.f32 v8, v22;
	v15 =	vmul.f32 v25, v15  }
0xa7: {  	v17 =	vsel vm0, v17, v19;
	v22 =	vadd.s32 v7, v35;
	v25 =	vand.u32 $0x7A, v10  }
0xa8: {  	v19 =	vor.u32 v23, v22;
	v23 =	vor.u32 v26, v22;
	v26 =	vmax.f32 v34, v15  }
0xa9: {  	vm1 =	vgt.f32 v9, v33;
	v35 =	vand.u32 $0x7B, v1;
	vm0 =	vgt.f32 v15, v34  }
0xaa: {  	vm4 =	vgt.f32 v12, v18;
	v12 =	vmin.f32 v18, v12;
	v33 =	vor.u32 v35, v22  }
0xab: {  	v13 =	vmax.f32 v16, v13;
	v16 =	vsel vm4, v5, v21;
	v32 =	vor.u32 v32, v22;
	v18 =	vld.idx.msk [tilespmem:v6+s15+$0x0], $0xffff  }
0xac: {  	v12 =	vmax.f32 v14, v12;
	v13 =	vmax.f32 v13, v27;
	v27 =	vsel vm3, v5, v17;
	v35 =	vld.idx.msk [tilespmem:v11+s15+$0x0], $0xffff  }
0xad: {  	vm3 =	vgt.f32 v8, v12;
	v20 =	vmax.f32 v12, v20;
	v14 =	vor.u32 v25, v22;
	v17 =	vld.idx.msk [tilespmem:v1+s15+$0x0], $0xffff  }
0xae: {  	v5 =	vmovc v30;
	v21 =	vsel vm4, v21, v27;
	vm4 =	vgt.f32 v9, v20;
	v25 =	vor.u32 $0x5, v6;
	v23 =	vld.idx.msk [tilespmem:v23+s17+$0x0], $0xffff  }
0xaf: {  	v8 =	vmin.f32 v12, v8;
	v12 =	vsel vm3, v2, v21;
	v27 =	vand.u32 $0x7D, v25;
	v19 =	vld.idx.msk [tilespmem:v19+s17+$0x0], $0xffff  }
0xb0: {  	v8 =	vmax.f32 v13, v8;
	v12 =	vsel vm2, v16, v12;
	v27 =	vor.u32 v27, v22;
	v21 =	vld.idx.msk [tilespmem:v33+s17+$0x0], $0xffff  }
0xb1: {  	v9 =	vmin.f32 v20, v9;
	v13 =	vmax.f32 v20, v29;
	v20 =	vmin.f32 v34, v15  }
0xb2: {  	v8 =	vmax.f32 v8, v9;
	v9 =	vsel vm4, v4, v12;
	vm3 =	vgt.f32 v15, v13;
	v14 =	vld.idx.msk [tilespmem:v14+s17+$0x0], $0xffff  }
0xb3: {  	v16 =	vsel vm2, v2, v16;
	v33 =	vmin.f32 v13, v15;
	v13 =	vmax.f32 v13, v20;
	v12 =	vld.idx.msk [tilespmem:v10+s15+$0x0], $0xffff  }
0xb4: {  	v2 =	vmovc v25;
	v15 =	vand.u32 $0x7F, v24;
	v29 =	vmax.f32 v8, v33;
	v20 =	vmul.f32 v35, v23;
	v23 =	vld.idx.msk [tilespmem:v25+s15+$0x0], $0xffff  }
0xb5: {  	v9 =	vsel vm1, v16, v9;
	v15 =	vor.u32 v15, v22;
	v8 =	vmul.f32 v18, v19;
	v18 =	vld.idx.msk [tilespmem:v27+s17+$0x0], $0xffff  }
0xb6: {  	v16 =	vsel vm1, v4, v16;
	v19 =	vor.u32 v31, v22;
	v21 =	vmul.f32 v17, v21;
	v17 =	vld.idx.msk [tilespmem:v30+s15+$0x0], $0xffff  }
0xb7: {  	v25 =	vsel vm0, v3, v16;
	vm1 =	vgt.f32 v8, v13;
	v30 =	vmin.f32 v26, v8;
	v22 =	vld.idx.msk [tilespmem:v32+s17+$0x0], $0xffff  }
0xb8: {  	v4 =	vmovc v28;
	vm2 =	vgt.f32 v8, v26;
	v27 =	vmin.f32 v13, v8;
	v13 =	vmax.f32 v13, v30  }
0xb9: {  	v9 =	vsel vm3, v3, v9;
	v3 =	vmovc v24;
	vm4 =	vgt.f32 v20, v13;
	v14 =	vmul.f32 v12, v14  }
0xba: {  	v9 =	vsel vm0, v16, v9;
	v24 =	vsel vm2, v6, v25;
	v28 =	vmin.f32 v13, v20;
	v15 =	vld.idx.msk [tilespmem:v15+s17+$0x0], $0xffff  }
0xbb: {  	v16 =	vmax.f32 v26, v8;
	v9 =	vsel vm1, v6, v9;
	v8 =	vmul.f32 v23, v18;
	v18 =	vld.idx.msk [tilespmem:v19+s17+$0x0], $0xffff  }
0xbc: {  	v9 =	vsel vm2, v25, v9;
	v12 =	vmin.f32 v16, v20;
	v23 =	vmax.f32 v16, v20  }
0xbd: {  	v25 =	vmax.f32 v13, v12;
	v9 =	vsel vm4, v11, v9;
	v12 =	vmul.f32 v17, v22;
	v22 =	vld.idx.msk [tilespmem:v4+s15+$0x0], $0xffff  }
0xbe: {  	vm0 =	vgt.f32 v20, v16;
	v13 =	vmax.f32 v29, v27;
	vm1 =	vgt.f32 v14, v25  }
0xbf: {  	v16 =	vmax.f32 v13, v28;
	v9 =	vsel vm0, v24, v9;
	vm2 =	vgt.f32 v14, v23  }
.Ltmp2:
0xc0: {  	v11 =	vsel vm0, v11, v24;
	v13 =	vmin.f32 v23, v14;
	v9 =	vsel vm1, v10, v9;
	(pc) =	sbr.rel @p0 .LBB2_7-.Ltmp2, $4  }
0xc1: {  	v24 =	vmax.f32 v25, v13;
	v19 =	vsel vm2, v11, v9;
	v17 =	vsel vm2, v10, v11  }
0xc2: {  	v10 =	vmax.f32 v23, v14;
	vm1 =	vgt.f32 v21, v24;
	v13 =	vmin.f32 v24, v21  }
0xc3: {  	vm0 =	vgt.f32 v21, v10;
	v11 =	vmin.f32 v10, v21;
	v9 =	vmul.f32 v22, v18  }
0xc4: {  	v20 =	vmin.f32 v25, v14;
	v14 =	vmax.f32 v24, v11;
	v18 =	vmax.f32 v10, v21  }
0xc5: {  	_ =	sdelay $0x3  }
0xc6: {  	v6 =	vld.idx.msk [tilespmem:v3+s15+$0x0], $0xffff;
	_ =	sdelay $0x2  }
0xc7: {  	v7 =	vmax.f32 v18, v12  }
0xc8: {  	v11 =	vmin.f32 v18, v12;
	v10 =	vmin.f32 v7, v8  }
0xc9: {  	v21 =	vmax.f32 v7, v8;
	v11 =	vmax.f32 v14, v11;
	v6 =	vmul.f32 v6, v15  }
0xca: {  	v53 =	vmin.f32 v21, v9;
	v22 =	vmax.f32 v21, v9;
	v10 =	vmax.f32 v11, v10  }
0xcb: {  	v15 =	vmax.f32 v10, v53;
	v23 =	vmin.f32 v22, v6  }
0xcc: {  	v24 =	vmax.f32 v22, v6;
	v23 =	vmax.f32 v15, v23  }
0xcd: {  	v23 =	vsub.f32 v23, v24;
	_ =	sdelay $0x1  }
0xce: {  	v23 =	vmul.f32 $1.442695020e+00, v23;
	_ =	sdelay $0x1  }
0xcf: {  	(erf) = vpow2.f32 v23;
	_ =	sdelay $0x8  }
0xd0: {  	v23 =	vpop (erf)  }
0xd1: {  	v19 =	vsel vm1, v1, v19;
	v54 =	vadd.f32 $1.000000000e+00, v23  }
0xd2: {  	v1 =	vsel vm0, v1, v17;
	vm10 =	vgt.f32 v12, v14;
	v55 =	vsel vm0, v17, v19  }
0xd3: {  	vm11 =	vgt.f32 v12, v18;
	v57 =	vsel vm10, v5, v55;
	(erf) = vrcp.f32 v54  }
0xd4: {  	v56 =	vmin.f32 v14, v12;
	vm12 =	vgt.f32 v8, v11;
	v12 =	vsel vm11, v1, v57  }
0xd5: {  	vm2 =	vgt.f32 v8, v7;
	v1 =	vsel vm11, v5, v1;
	v58 =	vsel vm12, v2, v12  }
0xd6: {  	v16 =	vmax.f32 v16, v20;
	vm14 =	vgt.f32 v9, v10;
	v5 =	vsel vm2, v1, v58  }
0xd7: {  	vm13 =	vgt.f32 v9, v21;
	v1 =	vsel vm2, v2, v1;
	v5 =	vsel vm14, v4, v5  }
0xd8: {  	v59 =	vmax.f32 v16, v13;
	vm15 =	vgt.f32 v6, v15;
	v2 =	vsel vm13, v1, v5  }
0xd9: {  	s29 =	sadd.s32 $0x1, s29;
	vm3 =	vgt.f32 v6, v22;
	v1 =	vsel vm13, v4, v1;
	v2 =	vsel vm15, v3, v2  }
0xda: {  	p0 =	sne.s32 s29, $0x10;
	v61 =	vmin.f32 v11, v8;
	v60 =	vsel vm3, v3, v1;
	v3 =	vmax.f32 v59, v56  }
.Ltmp3:
0xdb: {  	v62 =	vmin.f32 v10, v9;
	v1 =	vsel vm3, v1, v2;
	[tilespmem:s30+$0x10180] =	vst v60;
	v3 =	vmax.f32 v3, v61;
	(pc) =	sbr.rel @p0 .LBB2_6-.Ltmp3, $4  }
0xdc: {  	v63 =	vmin.f32 v15, v6;
	[tilespmem:s30+$0x10580] =	vst v1;
	v3 =	vmax.f32 v3, v62;
	v2 =	vpop (erf)  }
0xdd: {  	v1 =	vmul.f32 v2, v23;
	[tilespmem:s30+$0x10980] =	vst v2;
	v2 =	vmax.f32 v3, v63  }
0xde: {  	[tilespmem:s30+$0x11180] =	vst v2  }
0xdf: {  	[tilespmem:s30+$0x10D80] =	vst v1  }
0xe0: {  	s29 =	simm.s32 $0x0  }
0xe1: {  	[tilespmem:s17], [sflag:$0x2] =	stream.linear.gather [hbm4b:s7+s29], $0x8000, $0x38;
	[tilespmem:$0x11480] =	vst v63  }
0xe2: {  	_ =	swait.ge [sflag:s18], $0x8000  }
0xe3: {  	[sflag:s18] =	ssyncset.done $0x0  }
0xe4: {  	[sflag:s18] =	ssyncadd.s32 $0xFFFF8000  }
.LBB2_10:
0xe5: {  	s30 =	sshll.u32 s29, $0x4  }
0xe6: {  	v6 =	vimm.s32 $0x0;
	v1 =	vmov s30  }
0xe7: {  	v9 =	vor.u32 $0x1, v6;
	v1 =	vshll.u32 v1, $0x7  }
0xe8: {  	v2 =	vand.u32 $0xFFFFFF80, v6;
	v10 =	vor.u32 $0x2, v6;
	v7 =	vor.u32 v0, v1  }
0xe9: {  	v3 =	vand.u32 $0x78, v6;
	v1 =	vor.u32 $0x3, v6;
	v8 =	vadd.s32 v7, v2  }
0xea: {  	v2 =	vand.u32 $0x79, v9;
	v3 =	vor.u32 v3, v8  }
0xeb: {  	v5 =	vand.u32 $0x7A, v10;
	v4 =	vor.u32 v2, v8;
	v12 =	vld.idx.msk [tilespmem:v6+s15+$0x0], $0xffff  }
0xec: {  	v2 =	vand.u32 $0x7B, v1;
	v14 =	vor.u32 v5, v8;
	v13 =	vld.idx.msk [tilespmem:v9+s15+$0x0], $0xffff  }
0xed: {  	v11 =	vor.u32 v2, v8;
	v2 =	vor.u32 $0x5, v6;
	v19 =	vld.idx.msk [tilespmem:v10+s15+$0x0], $0xffff  }
0xee: {  	v16 =	vand.u32 $0x7D, v2;
	v15 =	vld.idx.msk [tilespmem:v1+s15+$0x0], $0xffff  }
0xef: {  	v16 =	vor.u32 v16, v8;
	v3 =	vld.idx.msk [tilespmem:v3+s3+$0x0], $0xffff  }
0xf0: {  	v17 =	vld.idx.msk [tilespmem:v4+s3+$0x0], $0xffff  }
0xf1: {  	v5 =	vor.u32 $0x4, v6;
	v14 =	vld.idx.msk [tilespmem:v14+s3+$0x0], $0xffff  }
0xf2: {  	v4 =	vand.u32 $0x7C, v5;
	v11 =	vld.idx.msk [tilespmem:v11+s3+$0x0], $0xffff  }
0xf3: {  	v18 =	vor.u32 v4, v8;
	v4 =	vor.u32 $0x6, v6;
	v21 =	vld.idx.msk [tilespmem:v2+s15+$0x0], $0xffff  }
0xf4: {  	v20 =	vimm.f32 $-Inf;
	v22 =	vand.u32 $0x7E, v4;
	v16 =	vld.idx.msk [tilespmem:v16+s3+$0x0], $0xffff  }
0xf5: {  	v22 =	vor.u32 v22, v8;
	v12 =	vmul.f32 v12, v3;
	v3 =	vor.u32 $0x7, v6  }
0xf6: {  	v13 =	vmul.f32 v13, v17;
	v14 =	vmul.f32 v19, v14;
	v17 =	vand.u32 $0x7F, v3  }
0xf7: {  	v23 =	vld.idx.msk [tilespmem:v5+s15+$0x0], $0xffff;
	v11 =	vmul.f32 v15, v11;
	v24 =	vmin.f32 v20, v12;
	vm0 =	vgt.f32 v12, v20  }
0xf8: {  	v15 =	vld.idx.msk [tilespmem:v18+s3+$0x0], $0xffff;
	v25 =	vor.u32 v17, v8;
	v17 =	vmax.f32 v20, v24;
	v18 =	vsel vm0, v6, v6  }
0xf9: {  	v20 =	vmax.f32 v20, v12;
	v8 =	vmul.f32 v21, v16;
	vm1 =	vgt.f32 v13, v17  }
0xfa: {  	v19 =	vmin.f32 v17, v13;
	v12 =	vsel vm0, v6, v18;
	v16 =	vmin.f32 v20, v13  }
0xfb: {  	v21 =	vld.idx.msk [tilespmem:v22+s3+$0x0], $0xffff;
	v22 =	vmax.f32 v20, v13;
	vm0 =	vgt.f32 v13, v20;
	v24 =	vmax.f32 v17, v16  }
0xfc: {  	v26 =	vsel vm1, v9, v12;
	v16 =	vmax.f32 v17, v19;
	vm2 =	vgt.f32 v14, v22  }
0xfd: {  	v9 =	vsel vm0, v9, v18;
	v17 =	vmin.f32 v22, v14;
	v12 =	vmul.f32 v23, v15;
	v15 =	vld.idx.msk [tilespmem:v4+s15+$0x0], $0xffff  }
0xfe: {  	vm1 =	vgt.f32 v14, v24;
	v13 =	vsel vm0, v18, v26;
	v18 =	vmax.f32 v24, v17  }
0xff: {  	v17 =	vsel vm2, v10, v9;
	v20 =	vmin.f32 v24, v14;
	v13 =	vsel vm1, v10, v13  }
0x100: {  	v10 =	vmax.f32 v22, v14;
	vm1 =	vgt.f32 v11, v18;
	v19 =	vsel vm2, v9, v13  }
0x101: {  	v13 =	vmin.f32 v18, v11;
	vm0 =	vgt.f32 v11, v10;
	v22 =	vmin.f32 v10, v11  }
0x102: {  	s31 =	simm.s32 $0x7;
	v14 =	vmax.f32 v18, v22;
	v18 =	vmax.f32 v10, v11;
	v9 =	vmul.f32 v15, v21;
	v15 =	vld.idx.msk [tilespmem:v25+s3+$0x0], $0xffff  }
.LBB2_11:
0x103: {  	p0 =	sne.s32 s31, $0x1;
	s31 =	sadd.s32 $0xFFFFFFFF, s31;
	v21 =	vsel vm0, v1, v17;
	v22 =	vmax.f32 v18, v12;
	v6 =	vadd.s32 $0x8, v6  }
0x104: {  	v23 =	vand.u32 $0x78, v6;
	v11 =	vor.u32 $0x1, v6;
	v24 =	vor.u32 $0x7, v6;
	v25 =	vld.idx.msk [tilespmem:v3+s15+$0x0], $0xffff  }
0x105: {  	v27 =	vmin.f32 v14, v12;
	v10 =	vor.u32 $0x2, v6;
	v26 =	vand.u32 $0x79, v11  }
0x106: {  	v16 =	vmax.f32 v16, v20;
	v28 =	vor.u32 $0x6, v6;
	v20 =	vmin.f32 v22, v8  }
0x107: {  	v29 =	vor.u32 $0x3, v6;
	v30 =	vor.u32 $0x4, v6;
	v31 =	vand.u32 $0x7E, v28  }
0x108: {  	v19 =	vsel vm1, v1, v19;
	v33 =	vmax.f32 v22, v8;
	v32 =	vand.u32 $0x7C, v30;
	v1 =	vmovc v29  }
0x109: {  	vm3 =	vgt.f32 v12, v14;
	v29 =	vmin.f32 v33, v9;
	v34 =	vmax.f32 v33, v9  }
0x10a: {  	v35 =	vand.u32 $0xFFFFFF80, v6;
	vm2 =	vgt.f32 v8, v22;
	v15 =	vmul.f32 v25, v15  }
0x10b: {  	v17 =	vsel vm0, v17, v19;
	v22 =	vadd.s32 v7, v35;
	v25 =	vand.u32 $0x7A, v10  }
0x10c: {  	v19 =	vor.u32 v23, v22;
	v23 =	vor.u32 v26, v22;
	v26 =	vmax.f32 v34, v15  }
0x10d: {  	vm1 =	vgt.f32 v9, v33;
	v35 =	vand.u32 $0x7B, v1;
	vm0 =	vgt.f32 v15, v34  }
0x10e: {  	vm4 =	vgt.f32 v12, v18;
	v12 =	vmin.f32 v18, v12;
	v33 =	vor.u32 v35, v22  }
0x10f: {  	v13 =	vmax.f32 v16, v13;
	v16 =	vsel vm4, v5, v21;
	v32 =	vor.u32 v32, v22;
	v18 =	vld.idx.msk [tilespmem:v6+s15+$0x0], $0xffff  }
0x110: {  	v12 =	vmax.f32 v14, v12;
	v13 =	vmax.f32 v13, v27;
	v27 =	vsel vm3, v5, v17;
	v35 =	vld.idx.msk [tilespmem:v11+s15+$0x0], $0xffff  }
0x111: {  	vm3 =	vgt.f32 v8, v12;
	v20 =	vmax.f32 v12, v20;
	v14 =	vor.u32 v25, v22;
	v17 =	vld.idx.msk [tilespmem:v1+s15+$0x0], $0xffff  }
0x112: {  	v5 =	vmovc v30;
	v21 =	vsel vm4, v21, v27;
	vm4 =	vgt.f32 v9, v20;
	v25 =	vor.u32 $0x5, v6;
	v23 =	vld.idx.msk [tilespmem:v23+s3+$0x0], $0xffff  }
0x113: {  	v8 =	vmin.f32 v12, v8;
	v12 =	vsel vm3, v2, v21;
	v27 =	vand.u32 $0x7D, v25;
	v19 =	vld.idx.msk [tilespmem:v19+s3+$0x0], $0xffff  }
0x114: {  	v8 =	vmax.f32 v13, v8;
	v12 =	vsel vm2, v16, v12;
	v27 =	vor.u32 v27, v22;
	v21 =	vld.idx.msk [tilespmem:v33+s3+$0x0], $0xffff  }
0x115: {  	v9 =	vmin.f32 v20, v9;
	v13 =	vmax.f32 v20, v29;
	v20 =	vmin.f32 v34, v15  }
0x116: {  	v8 =	vmax.f32 v8, v9;
	v9 =	vsel vm4, v4, v12;
	vm3 =	vgt.f32 v15, v13;
	v14 =	vld.idx.msk [tilespmem:v14+s3+$0x0], $0xffff  }
0x117: {  	v16 =	vsel vm2, v2, v16;
	v33 =	vmin.f32 v13, v15;
	v13 =	vmax.f32 v13, v20;
	v12 =	vld.idx.msk [tilespmem:v10+s15+$0x0], $0xffff  }
0x118: {  	v2 =	vmovc v25;
	v15 =	vand.u32 $0x7F, v24;
	v29 =	vmax.f32 v8, v33;
	v20 =	vmul.f32 v35, v23;
	v23 =	vld.idx.msk [tilespmem:v25+s15+$0x0], $0xffff  }
0x119: {  	v9 =	vsel vm1, v16, v9;
	v15 =	vor.u32 v15, v22;
	v8 =	vmul.f32 v18, v19;
	v18 =	vld.idx.msk [tilespmem:v27+s3+$0x0], $0xffff  }
0x11a: {  	v16 =	vsel vm1, v4, v16;
	v19 =	vor.u32 v31, v22;
	v21 =	vmul.f32 v17, v21;
	v17 =	vld.idx.msk [tilespmem:v30+s15+$0x0], $0xffff  }
0x11b: {  	v25 =	vsel vm0, v3, v16;
	vm1 =	vgt.f32 v8, v13;
	v30 =	vmin.f32 v26, v8;
	v22 =	vld.idx.msk [tilespmem:v32+s3+$0x0], $0xffff  }
0x11c: {  	v4 =	vmovc v28;
	vm2 =	vgt.f32 v8, v26;
	v27 =	vmin.f32 v13, v8;
	v13 =	vmax.f32 v13, v30  }
0x11d: {  	v9 =	vsel vm3, v3, v9;
	v3 =	vmovc v24;
	vm4 =	vgt.f32 v20, v13;
	v14 =	vmul.f32 v12, v14  }
0x11e: {  	v9 =	vsel vm0, v16, v9;
	v24 =	vsel vm2, v6, v25;
	v28 =	vmin.f32 v13, v20;
	v15 =	vld.idx.msk [tilespmem:v15+s3+$0x0], $0xffff  }
0x11f: {  	v16 =	vmax.f32 v26, v8;
	v9 =	vsel vm1, v6, v9;
	v8 =	vmul.f32 v23, v18;
	v18 =	vld.idx.msk [tilespmem:v19+s3+$0x0], $0xffff  }
0x120: {  	v9 =	vsel vm2, v25, v9;
	v12 =	vmin.f32 v16, v20;
	v23 =	vmax.f32 v16, v20  }
0x121: {  	v25 =	vmax.f32 v13, v12;
	v9 =	vsel vm4, v11, v9;
	v12 =	vmul.f32 v17, v22;
	v22 =	vld.idx.msk [tilespmem:v4+s15+$0x0], $0xffff  }
0x122: {  	vm0 =	vgt.f32 v20, v16;
	v13 =	vmax.f32 v29, v27;
	vm1 =	vgt.f32 v14, v25  }
0x123: {  	v16 =	vmax.f32 v13, v28;
	v9 =	vsel vm0, v24, v9;
	vm2 =	vgt.f32 v14, v23  }
.Ltmp4:
0x124: {  	v11 =	vsel vm0, v11, v24;
	v13 =	vmin.f32 v23, v14;
	v9 =	vsel vm1, v10, v9;
	(pc) =	sbr.rel @p0 .LBB2_11-.Ltmp4, $4  }
0x125: {  	v24 =	vmax.f32 v25, v13;
	v19 =	vsel vm2, v11, v9;
	v17 =	vsel vm2, v10, v11  }
0x126: {  	v10 =	vmax.f32 v23, v14;
	vm1 =	vgt.f32 v21, v24;
	v13 =	vmin.f32 v24, v21  }
0x127: {  	vm0 =	vgt.f32 v21, v10;
	v11 =	vmin.f32 v10, v21;
	v9 =	vmul.f32 v22, v18  }
0x128: {  	v20 =	vmin.f32 v25, v14;
	v14 =	vmax.f32 v24, v11;
	v18 =	vmax.f32 v10, v21  }
0x129: {  	_ =	sdelay $0x3  }
0x12a: {  	v6 =	vld.idx.msk [tilespmem:v3+s15+$0x0], $0xffff;
	_ =	sdelay $0x2  }
0x12b: {  	v7 =	vmax.f32 v18, v12  }
0x12c: {  	v11 =	vmin.f32 v18, v12;
	v10 =	vmin.f32 v7, v8  }
0x12d: {  	v21 =	vmax.f32 v7, v8;
	v11 =	vmax.f32 v14, v11;
	v6 =	vmul.f32 v6, v15  }
0x12e: {  	v53 =	vmin.f32 v21, v9;
	v22 =	vmax.f32 v21, v9;
	v10 =	vmax.f32 v11, v10  }
0x12f: {  	v15 =	vmax.f32 v10, v53;
	v23 =	vmin.f32 v22, v6  }
0x130: {  	v24 =	vmax.f32 v22, v6;
	v23 =	vmax.f32 v15, v23  }
0x131: {  	v23 =	vsub.f32 v23, v24;
	_ =	sdelay $0x1  }
0x132: {  	v23 =	vmul.f32 $1.442695020e+00, v23;
	_ =	sdelay $0x1  }
0x133: {  	(erf) = vpow2.f32 v23;
	_ =	sdelay $0x8  }
0x134: {  	v23 =	vpop (erf)  }
0x135: {  	v19 =	vsel vm1, v1, v19;
	v54 =	vadd.f32 $1.000000000e+00, v23  }
0x136: {  	v1 =	vsel vm0, v1, v17;
	vm10 =	vgt.f32 v12, v14;
	v55 =	vsel vm0, v17, v19  }
0x137: {  	vm11 =	vgt.f32 v12, v18;
	v57 =	vsel vm10, v5, v55;
	(erf) = vrcp.f32 v54  }
0x138: {  	v56 =	vmin.f32 v14, v12;
	vm12 =	vgt.f32 v8, v11;
	v12 =	vsel vm11, v1, v57  }
0x139: {  	vm2 =	vgt.f32 v8, v7;
	v1 =	vsel vm11, v5, v1;
	v58 =	vsel vm12, v2, v12  }
0x13a: {  	v16 =	vmax.f32 v16, v20;
	vm14 =	vgt.f32 v9, v10;
	v5 =	vsel vm2, v1, v58  }
0x13b: {  	vm13 =	vgt.f32 v9, v21;
	v1 =	vsel vm2, v2, v1;
	v5 =	vsel vm14, v4, v5  }
0x13c: {  	v59 =	vmax.f32 v16, v13;
	vm15 =	vgt.f32 v6, v15;
	v2 =	vsel vm13, v1, v5  }
0x13d: {  	s29 =	sadd.s32 $0x1, s29;
	vm3 =	vgt.f32 v6, v22;
	v1 =	vsel vm13, v4, v1;
	v2 =	vsel vm15, v3, v2  }
0x13e: {  	p0 =	sne.s32 s29, $0x10;
	v61 =	vmin.f32 v11, v8;
	v60 =	vsel vm3, v3, v1;
	v3 =	vmax.f32 v59, v56  }
.Ltmp5:
0x13f: {  	v62 =	vmin.f32 v10, v9;
	v1 =	vsel vm3, v1, v2;
	[tilespmem:s30+$0x10280] =	vst v60;
	v3 =	vmax.f32 v3, v61;
	(pc) =	sbr.rel @p0 .LBB2_10-.Ltmp5, $4  }
0x140: {  	v63 =	vmin.f32 v15, v6;
	[tilespmem:s30+$0x10680] =	vst v1;
	v3 =	vmax.f32 v3, v62;
	v2 =	vpop (erf)  }
0x141: {  	v1 =	vmul.f32 v2, v23;
	[tilespmem:s30+$0x10A80] =	vst v2;
	v2 =	vmax.f32 v3, v63  }
0x142: {  	[tilespmem:s30+$0x11280] =	vst v2  }
0x143: {  	[tilespmem:s30+$0x10E80] =	vst v1  }
0x144: {  	_ =	swait.ge [sflag:s19], $0x8000  }
0x145: {  	[sflag:s19] =	ssyncset.done $0x0  }
0x146: {  	s29 =	simm.s32 $0x0;
	[sflag:s19] =	ssyncadd.s32 $0xFFFF8000  }
.LBB2_14:
0x147: {  	s30 =	sshll.u32 s29, $0x4  }
0x148: {  	v6 =	vimm.s32 $0x0;
	v1 =	vmov s30  }
0x149: {  	v9 =	vor.u32 $0x1, v6;
	v1 =	vshll.u32 v1, $0x7  }
0x14a: {  	v2 =	vand.u32 $0xFFFFFF80, v6;
	v10 =	vor.u32 $0x2, v6;
	v7 =	vor.u32 v0, v1  }
0x14b: {  	v3 =	vand.u32 $0x78, v6;
	v1 =	vor.u32 $0x3, v6;
	v8 =	vadd.s32 v7, v2  }
0x14c: {  	v2 =	vand.u32 $0x79, v9;
	v3 =	vor.u32 v3, v8  }
0x14d: {  	v5 =	vand.u32 $0x7A, v10;
	v4 =	vor.u32 v2, v8;
	v12 =	vld.idx.msk [tilespmem:v6+s15+$0x0], $0xffff  }
0x14e: {  	v2 =	vand.u32 $0x7B, v1;
	v14 =	vor.u32 v5, v8;
	v13 =	vld.idx.msk [tilespmem:v9+s15+$0x0], $0xffff  }
0x14f: {  	v11 =	vor.u32 v2, v8;
	v2 =	vor.u32 $0x5, v6;
	v19 =	vld.idx.msk [tilespmem:v10+s15+$0x0], $0xffff  }
0x150: {  	v16 =	vand.u32 $0x7D, v2;
	v15 =	vld.idx.msk [tilespmem:v1+s15+$0x0], $0xffff  }
0x151: {  	v16 =	vor.u32 v16, v8;
	v3 =	vld.idx.msk [tilespmem:v3+s17+$0x0], $0xffff  }
0x152: {  	v17 =	vld.idx.msk [tilespmem:v4+s17+$0x0], $0xffff  }
0x153: {  	v5 =	vor.u32 $0x4, v6;
	v14 =	vld.idx.msk [tilespmem:v14+s17+$0x0], $0xffff  }
0x154: {  	v4 =	vand.u32 $0x7C, v5;
	v11 =	vld.idx.msk [tilespmem:v11+s17+$0x0], $0xffff  }
0x155: {  	v18 =	vor.u32 v4, v8;
	v4 =	vor.u32 $0x6, v6;
	v21 =	vld.idx.msk [tilespmem:v2+s15+$0x0], $0xffff  }
0x156: {  	v20 =	vimm.f32 $-Inf;
	v22 =	vand.u32 $0x7E, v4;
	v16 =	vld.idx.msk [tilespmem:v16+s17+$0x0], $0xffff  }
0x157: {  	v22 =	vor.u32 v22, v8;
	v12 =	vmul.f32 v12, v3;
	v3 =	vor.u32 $0x7, v6  }
0x158: {  	v13 =	vmul.f32 v13, v17;
	v14 =	vmul.f32 v19, v14;
	v17 =	vand.u32 $0x7F, v3  }
0x159: {  	v23 =	vld.idx.msk [tilespmem:v5+s15+$0x0], $0xffff;
	v11 =	vmul.f32 v15, v11;
	v24 =	vmin.f32 v20, v12;
	vm0 =	vgt.f32 v12, v20  }
0x15a: {  	v15 =	vld.idx.msk [tilespmem:v18+s17+$0x0], $0xffff;
	v25 =	vor.u32 v17, v8;
	v17 =	vmax.f32 v20, v24;
	v18 =	vsel vm0, v6, v6  }
0x15b: {  	v20 =	vmax.f32 v20, v12;
	v8 =	vmul.f32 v21, v16;
	vm1 =	vgt.f32 v13, v17  }
0x15c: {  	v19 =	vmin.f32 v17, v13;
	v12 =	vsel vm0, v6, v18;
	v16 =	vmin.f32 v20, v13  }
0x15d: {  	v21 =	vld.idx.msk [tilespmem:v22+s17+$0x0], $0xffff;
	v22 =	vmax.f32 v20, v13;
	vm0 =	vgt.f32 v13, v20;
	v24 =	vmax.f32 v17, v16  }
0x15e: {  	v26 =	vsel vm1, v9, v12;
	v16 =	vmax.f32 v17, v19;
	vm2 =	vgt.f32 v14, v22  }
0x15f: {  	v9 =	vsel vm0, v9, v18;
	v17 =	vmin.f32 v22, v14;
	v12 =	vmul.f32 v23, v15;
	v15 =	vld.idx.msk [tilespmem:v4+s15+$0x0], $0xffff  }
0x160: {  	vm1 =	vgt.f32 v14, v24;
	v13 =	vsel vm0, v18, v26;
	v18 =	vmax.f32 v24, v17  }
0x161: {  	v17 =	vsel vm2, v10, v9;
	v20 =	vmin.f32 v24, v14;
	v13 =	vsel vm1, v10, v13  }
0x162: {  	v10 =	vmax.f32 v22, v14;
	vm1 =	vgt.f32 v11, v18;
	v19 =	vsel vm2, v9, v13  }
0x163: {  	v13 =	vmin.f32 v18, v11;
	vm0 =	vgt.f32 v11, v10;
	v22 =	vmin.f32 v10, v11  }
0x164: {  	s31 =	simm.s32 $0x7;
	v14 =	vmax.f32 v18, v22;
	v18 =	vmax.f32 v10, v11;
	v9 =	vmul.f32 v15, v21;
	v15 =	vld.idx.msk [tilespmem:v25+s17+$0x0], $0xffff  }
.LBB2_15:
0x165: {  	p0 =	sne.s32 s31, $0x1;
	s31 =	sadd.s32 $0xFFFFFFFF, s31;
	v21 =	vsel vm0, v1, v17;
	v22 =	vmax.f32 v18, v12;
	v6 =	vadd.s32 $0x8, v6  }
0x166: {  	v23 =	vand.u32 $0x78, v6;
	v11 =	vor.u32 $0x1, v6;
	v24 =	vor.u32 $0x7, v6;
	v25 =	vld.idx.msk [tilespmem:v3+s15+$0x0], $0xffff  }
0x167: {  	v27 =	vmin.f32 v14, v12;
	v10 =	vor.u32 $0x2, v6;
	v26 =	vand.u32 $0x79, v11  }
0x168: {  	v16 =	vmax.f32 v16, v20;
	v28 =	vor.u32 $0x6, v6;
	v20 =	vmin.f32 v22, v8  }
0x169: {  	v29 =	vor.u32 $0x3, v6;
	v30 =	vor.u32 $0x4, v6;
	v31 =	vand.u32 $0x7E, v28  }
0x16a: {  	v19 =	vsel vm1, v1, v19;
	v33 =	vmax.f32 v22, v8;
	v32 =	vand.u32 $0x7C, v30;
	v1 =	vmovc v29  }
0x16b: {  	vm3 =	vgt.f32 v12, v14;
	v29 =	vmin.f32 v33, v9;
	v34 =	vmax.f32 v33, v9  }
0x16c: {  	v35 =	vand.u32 $0xFFFFFF80, v6;
	vm2 =	vgt.f32 v8, v22;
	v15 =	vmul.f32 v25, v15  }
0x16d: {  	v17 =	vsel vm0, v17, v19;
	v22 =	vadd.s32 v7, v35;
	v25 =	vand.u32 $0x7A, v10  }
0x16e: {  	v19 =	vor.u32 v23, v22;
	v23 =	vor.u32 v26, v22;
	v26 =	vmax.f32 v34, v15  }
0x16f: {  	vm1 =	vgt.f32 v9, v33;
	v35 =	vand.u32 $0x7B, v1;
	vm0 =	vgt.f32 v15, v34  }
0x170: {  	vm4 =	vgt.f32 v12, v18;
	v12 =	vmin.f32 v18, v12;
	v33 =	vor.u32 v35, v22  }
0x171: {  	v13 =	vmax.f32 v16, v13;
	v16 =	vsel vm4, v5, v21;
	v32 =	vor.u32 v32, v22;
	v18 =	vld.idx.msk [tilespmem:v6+s15+$0x0], $0xffff  }
0x172: {  	v12 =	vmax.f32 v14, v12;
	v13 =	vmax.f32 v13, v27;
	v27 =	vsel vm3, v5, v17;
	v35 =	vld.idx.msk [tilespmem:v11+s15+$0x0], $0xffff  }
0x173: {  	vm3 =	vgt.f32 v8, v12;
	v20 =	vmax.f32 v12, v20;
	v14 =	vor.u32 v25, v22;
	v17 =	vld.idx.msk [tilespmem:v1+s15+$0x0], $0xffff  }
0x174: {  	v5 =	vmovc v30;
	v21 =	vsel vm4, v21, v27;
	vm4 =	vgt.f32 v9, v20;
	v25 =	vor.u32 $0x5, v6;
	v23 =	vld.idx.msk [tilespmem:v23+s17+$0x0], $0xffff  }
0x175: {  	v8 =	vmin.f32 v12, v8;
	v12 =	vsel vm3, v2, v21;
	v27 =	vand.u32 $0x7D, v25;
	v19 =	vld.idx.msk [tilespmem:v19+s17+$0x0], $0xffff  }
0x176: {  	v8 =	vmax.f32 v13, v8;
	v12 =	vsel vm2, v16, v12;
	v27 =	vor.u32 v27, v22;
	v21 =	vld.idx.msk [tilespmem:v33+s17+$0x0], $0xffff  }
0x177: {  	v9 =	vmin.f32 v20, v9;
	v13 =	vmax.f32 v20, v29;
	v20 =	vmin.f32 v34, v15  }
0x178: {  	v8 =	vmax.f32 v8, v9;
	v9 =	vsel vm4, v4, v12;
	vm3 =	vgt.f32 v15, v13;
	v14 =	vld.idx.msk [tilespmem:v14+s17+$0x0], $0xffff  }
0x179: {  	v16 =	vsel vm2, v2, v16;
	v33 =	vmin.f32 v13, v15;
	v13 =	vmax.f32 v13, v20;
	v12 =	vld.idx.msk [tilespmem:v10+s15+$0x0], $0xffff  }
0x17a: {  	v2 =	vmovc v25;
	v15 =	vand.u32 $0x7F, v24;
	v29 =	vmax.f32 v8, v33;
	v20 =	vmul.f32 v35, v23;
	v23 =	vld.idx.msk [tilespmem:v25+s15+$0x0], $0xffff  }
0x17b: {  	v9 =	vsel vm1, v16, v9;
	v15 =	vor.u32 v15, v22;
	v8 =	vmul.f32 v18, v19;
	v18 =	vld.idx.msk [tilespmem:v27+s17+$0x0], $0xffff  }
0x17c: {  	v16 =	vsel vm1, v4, v16;
	v19 =	vor.u32 v31, v22;
	v21 =	vmul.f32 v17, v21;
	v17 =	vld.idx.msk [tilespmem:v30+s15+$0x0], $0xffff  }
0x17d: {  	v25 =	vsel vm0, v3, v16;
	vm1 =	vgt.f32 v8, v13;
	v30 =	vmin.f32 v26, v8;
	v22 =	vld.idx.msk [tilespmem:v32+s17+$0x0], $0xffff  }
0x17e: {  	v4 =	vmovc v28;
	vm2 =	vgt.f32 v8, v26;
	v27 =	vmin.f32 v13, v8;
	v13 =	vmax.f32 v13, v30  }
0x17f: {  	v9 =	vsel vm3, v3, v9;
	v3 =	vmovc v24;
	vm4 =	vgt.f32 v20, v13;
	v14 =	vmul.f32 v12, v14  }
0x180: {  	v9 =	vsel vm0, v16, v9;
	v24 =	vsel vm2, v6, v25;
	v28 =	vmin.f32 v13, v20;
	v15 =	vld.idx.msk [tilespmem:v15+s17+$0x0], $0xffff  }
0x181: {  	v16 =	vmax.f32 v26, v8;
	v9 =	vsel vm1, v6, v9;
	v8 =	vmul.f32 v23, v18;
	v18 =	vld.idx.msk [tilespmem:v19+s17+$0x0], $0xffff  }
0x182: {  	v9 =	vsel vm2, v25, v9;
	v12 =	vmin.f32 v16, v20;
	v23 =	vmax.f32 v16, v20  }
0x183: {  	v25 =	vmax.f32 v13, v12;
	v9 =	vsel vm4, v11, v9;
	v12 =	vmul.f32 v17, v22;
	v22 =	vld.idx.msk [tilespmem:v4+s15+$0x0], $0xffff  }
0x184: {  	vm0 =	vgt.f32 v20, v16;
	v13 =	vmax.f32 v29, v27;
	vm1 =	vgt.f32 v14, v25  }
0x185: {  	v16 =	vmax.f32 v13, v28;
	v9 =	vsel vm0, v24, v9;
	vm2 =	vgt.f32 v14, v23  }
.Ltmp6:
0x186: {  	v11 =	vsel vm0, v11, v24;
	v13 =	vmin.f32 v23, v14;
	v9 =	vsel vm1, v10, v9;
	(pc) =	sbr.rel @p0 .LBB2_15-.Ltmp6, $4  }
0x187: {  	v24 =	vmax.f32 v25, v13;
	v19 =	vsel vm2, v11, v9;
	v17 =	vsel vm2, v10, v11  }
0x188: {  	v10 =	vmax.f32 v23, v14;
	vm1 =	vgt.f32 v21, v24;
	v13 =	vmin.f32 v24, v21  }
0x189: {  	vm0 =	vgt.f32 v21, v10;
	v11 =	vmin.f32 v10, v21;
	v9 =	vmul.f32 v22, v18  }
0x18a: {  	v20 =	vmin.f32 v25, v14;
	v14 =	vmax.f32 v24, v11;
	v18 =	vmax.f32 v10, v21  }
0x18b: {  	_ =	sdelay $0x3  }
0x18c: {  	v6 =	vld.idx.msk [tilespmem:v3+s15+$0x0], $0xffff;
	_ =	sdelay $0x2  }
0x18d: {  	v7 =	vmax.f32 v18, v12  }
0x18e: {  	v11 =	vmin.f32 v18, v12;
	v10 =	vmin.f32 v7, v8  }
0x18f: {  	v21 =	vmax.f32 v7, v8;
	v11 =	vmax.f32 v14, v11;
	v6 =	vmul.f32 v6, v15  }
0x190: {  	v53 =	vmin.f32 v21, v9;
	v22 =	vmax.f32 v21, v9;
	v10 =	vmax.f32 v11, v10  }
0x191: {  	v15 =	vmax.f32 v10, v53;
	v23 =	vmin.f32 v22, v6  }
0x192: {  	v24 =	vmax.f32 v22, v6;
	v23 =	vmax.f32 v15, v23  }
0x193: {  	v23 =	vsub.f32 v23, v24;
	_ =	sdelay $0x1  }
0x194: {  	v23 =	vmul.f32 $1.442695020e+00, v23;
	_ =	sdelay $0x1  }
0x195: {  	(erf) = vpow2.f32 v23;
	_ =	sdelay $0x8  }
0x196: {  	v23 =	vpop (erf)  }
0x197: {  	v19 =	vsel vm1, v1, v19;
	v54 =	vadd.f32 $1.000000000e+00, v23  }
0x198: {  	v1 =	vsel vm0, v1, v17;
	vm10 =	vgt.f32 v12, v14;
	v55 =	vsel vm0, v17, v19  }
0x199: {  	vm11 =	vgt.f32 v12, v18;
	v57 =	vsel vm10, v5, v55;
	(erf) = vrcp.f32 v54  }
0x19a: {  	v56 =	vmin.f32 v14, v12;
	vm12 =	vgt.f32 v8, v11;
	v12 =	vsel vm11, v1, v57  }
0x19b: {  	vm2 =	vgt.f32 v8, v7;
	v1 =	vsel vm11, v5, v1;
	v58 =	vsel vm12, v2, v12  }
0x19c: {  	v16 =	vmax.f32 v16, v20;
	vm14 =	vgt.f32 v9, v10;
	v5 =	vsel vm2, v1, v58  }
0x19d: {  	vm13 =	vgt.f32 v9, v21;
	v1 =	vsel vm2, v2, v1;
	v5 =	vsel vm14, v4, v5  }
0x19e: {  	v59 =	vmax.f32 v16, v13;
	vm15 =	vgt.f32 v6, v15;
	v2 =	vsel vm13, v1, v5  }
0x19f: {  	s29 =	sadd.s32 $0x1, s29;
	vm3 =	vgt.f32 v6, v22;
	v1 =	vsel vm13, v4, v1;
	v2 =	vsel vm15, v3, v2  }
0x1a0: {  	p0 =	sne.s32 s29, $0x10;
	v61 =	vmin.f32 v11, v8;
	v60 =	vsel vm3, v3, v1;
	v3 =	vmax.f32 v59, v56  }
.Ltmp7:
0x1a1: {  	v62 =	vmin.f32 v10, v9;
	v1 =	vsel vm3, v1, v2;
	[tilespmem:s30+$0x10380] =	vst v60;
	v3 =	vmax.f32 v3, v61;
	(pc) =	sbr.rel @p0 .LBB2_14-.Ltmp7, $4  }
0x1a2: {  	v63 =	vmin.f32 v15, v6;
	[tilespmem:s30+$0x10780] =	vst v1;
	v3 =	vmax.f32 v3, v62;
	v2 =	vpop (erf)  }
0x1a3: {  	v1 =	vmul.f32 v2, v23;
	[tilespmem:s30+$0x10B80] =	vst v2;
	v2 =	vmax.f32 v3, v63  }
0x1a4: {  	[tilespmem:s30+$0x11380] =	vst v2  }
0x1a5: {  	[tilespmem:s30+$0x10F80] =	vst v1  }
0x1a6: {  	[hbm4b:s8+s20] =	stream.strided.scatter [tilespmem:s22], [sflag:$0x3], $0x400, s21, s20, $0x38;
	[tilespmem:$0x11480] =	vst v63  }
0x1a7: {  	_ =	swait.ge [sflag:s16], $0x400  }
0x1a8: {  	[sflag:s16] =	ssyncset.done $0x0  }
0x1a9: {  	[sflag:s16] =	ssyncadd.s32 $0xFFFFFC00  }
0x1aa: {  	[hbm4b:s9+s20] =	stream.strided.scatter [tilespmem:s23], [sflag:$0x3], $0x400, s21, s20, $0x38;
	[tilespmem:$0x11480] =	vst v63  }
0x1ab: {  	_ =	swait.ge [sflag:s16], $0x400  }
0x1ac: {  	[sflag:s16] =	ssyncset.done $0x0  }
0x1ad: {  	[sflag:s16] =	ssyncadd.s32 $0xFFFFFC00  }
0x1ae: {  	[hbm4b:s10+s20] =	stream.strided.scatter [tilespmem:s24], [sflag:$0x3], $0x400, s21, s20, $0x38;
	[tilespmem:$0x11480] =	vst v63  }
0x1af: {  	_ =	swait.ge [sflag:s16], $0x400  }
0x1b0: {  	[sflag:s16] =	ssyncset.done $0x0  }
0x1b1: {  	[sflag:s16] =	ssyncadd.s32 $0xFFFFFC00  }
0x1b2: {  	[hbm4b:s11+s20] =	stream.strided.scatter [tilespmem:s25], [sflag:$0x3], $0x400, s21, s20, $0x38;
	[tilespmem:$0x11480] =	vst v63  }
0x1b3: {  	_ =	swait.ge [sflag:s16], $0x400  }
0x1b4: {  	[sflag:s16] =	ssyncset.done $0x0  }
0x1b5: {  	[sflag:s16] =	ssyncadd.s32 $0xFFFFFC00  }
0x1b6: {  	[hbm4b:s12+s20] =	stream.strided.scatter [tilespmem:s26], [sflag:$0x3], $0x400, s21, s20, $0x38;
	[tilespmem:$0x11480] =	vst v63  }
0x1b7: {  	s28 =	sadd.s32 $0x1, s28;
	_ =	swait.ge [sflag:s16], $0x400  }
0x1b8: {  	p0 =	sne.s32 s28, s14;
	[sflag:s16] =	ssyncset.done $0x0  }
.Ltmp8:
0x1b9: {  	[sflag:s16] =	ssyncadd.s32 $0xFFFFFC00;
	(pc) =	sbr.rel @p0 .LBB2_1-.Ltmp8, $4  }
0x1ba: {  	[hbm4b:s13+s20] =	stream.strided.scatter [tilespmem:s26], [sflag:$0x3], $0x400, s21, s20, $0x38;
	[tilespmem:$0x11480] =	vst v63  }
0x1bb: {  	_ =	swait.ge [sflag:s16], $0x400  }
0x1bc: {  	[sflag:s16] =	ssyncset.done $0x0  }
0x1bd: {  	[sflag:s16] =	ssyncadd.s32 $0xFFFFFC00  }
0x1be: {  	_ =	sfence.sel $0x180000  }
0x1bf: {  	[bflag:$0x0] =	sbarrier.arrive $0xFFFF  }
0x1c0: {  	p0 =	sne.s32 s0, $0x0;
	_ =	strace $0x90000047  }
0x1c1: {  	s0 =	sadd.s32 @!p0 $0x100000, s1;
	[bflag:$0x2] =	sbarrier.arrive $0xFFFF  }
0x1c2: {  	[sflag:s0] =	ssyncadd.tile.s32 @!p0 $0x1;
	_ =	shalt  }
.Lfunc_end2:
_tile_overlayer_lowered:
.L_overlay_start_2:
0x1c3: {  	(tag) =	ssettag $0x2  }
0x1c4: {  	s0 =	rddreg [dreg:$0x0];
	s2 =	stileid.u32  }
0x1c5: {  	s1 =	rddreg [dreg:$0x1];
	p0 =	sne.s32 s2, $0x0  }
0x1c6: {  	s3 =	rddreg [dreg:$0x2];
	[bflag:$0x3] =	sbarrier.arrive $0xFFFF;
	s2 =	simm.s32 @!p0 $0x1C03  }
0x1c7: {  	[timem:s3], [sflag:s2] =	dma.local @!p0 [hbm:s0], s1  }
0x1c8: {  	s0 =	simm.s32 @!p0 $0x3  }
0x1c9: {  	_ =	swait.ge @!p0 [sflag:s0], s1  }
0x1ca: {  	s1 =	ssub.s32 @!p0 $0x0, s1;
	[sflag:s0] =	ssyncset.done @!p0 $0x0  }
0x1cb: {  	[sflag:s0] =	ssyncadd.s32 @!p0 s1  }
0x1cc: {  	[bflag:$0x3] =	sbarrier.arrive $0xFFFF  }
0x1cd: {  	_ =	shalt  }

</sc_bundles>
